<compile_context>
chip_gen: v7x
topology: tpu7x:2x2x1
jax: 0.10.2.dev20260603
libtpu: 0.0.44.dev20260713+nightly
codegen_flags: <defaults>
</compile_context>

<pallas_src>
import functools

import jax
import jax.numpy as jnp
from jax import lax
from jax.experimental import pallas as pl
from jax.experimental.pallas import tpu as pltpu
from jax.experimental.pallas import tpu_sc as plsc

DIM = 16
B = 16384
K = 20
ROW = 1 + DIM
NU = 1000000
NI = 100000

_NC = 2
_NS = 16
_NW = _NC * _NS
_BPW = B // _NW
_CH = 256
_NCH = _BPW // _CH


def _sc_gather(up, ip, uid, iid):
    mesh = plsc.VectorSubcoreMesh(core_axis_name="c", subcore_axis_name="s")

    @functools.partial(
        pl.kernel,
        mesh=mesh,
        compiler_params=pltpu.CompilerParams(use_tc_tiling_on_sc=False),
        out_type=(
            jax.ShapeDtypeStruct((B, 128), jnp.float32),
            jax.ShapeDtypeStruct((B, 128), jnp.float32),
        ),
        scratch_types=[
            pltpu.VMEM((_NCH, _CH), jnp.int32),
            pltpu.VMEM((_NCH, _CH), jnp.int32),
            pltpu.VMEM((_CH, 128), jnp.float32),
            pltpu.VMEM((_CH, 128), jnp.float32),
            pltpu.SemaphoreType.DMA,
            pltpu.SemaphoreType.DMA,
        ],
    )
    def k(up_h, ip_h, uid_h, iid_h, ou_h, oi_h,
          uidx_v, iidx_v, ubuf_v, ibuf_v, usem, isem):
        wid = lax.axis_index("s") * _NC + lax.axis_index("c")
        base = wid * _BPW
        for c in range(_NCH):
            off = base + c * _CH
            pltpu.sync_copy(uid_h.at[pl.ds(off, _CH)], uidx_v.at[c])
            pltpu.sync_copy(iid_h.at[pl.ds(off, _CH)], iidx_v.at[c])
            ucp = pltpu.async_copy(up_h.at[uidx_v.at[c]], ubuf_v, usem)
            icp = pltpu.async_copy(ip_h.at[iidx_v.at[c]], ibuf_v, isem)
            ucp.wait()
            pltpu.sync_copy(ubuf_v, ou_h.at[pl.ds(off, _CH)])
            icp.wait()
            pltpu.sync_copy(ibuf_v, oi_h.at[pl.ds(off, _CH)])

    return k(up, ip, uid, iid)


_BB = 2048


def _tc_body(u_ref, i_ref, age_ref, gen_ref, occ_ref, kind_ref, lab_ref,
             atab_ref, gtab_ref, otab_ref, ktab_ref, out_ref):
    f32 = jnp.float32
    u = u_ref[...]
    i = i_ref[...]
    ue = u[:, 1:ROW]
    ie = i[:, 1:ROW]
    s = ue + ie
    qs = jnp.sum(ue * ue + ie * ie, axis=1, keepdims=True)
    bias = u[:, 0:1] + i[:, 0:1]

    def one_hot_feature(idx_col, tab, width):
        t = lax.broadcasted_iota(jnp.int32, (_BB, width), 1)
        oh = (idx_col == t).astype(f32)
        return jnp.dot(oh, tab, precision=lax.Precision.HIGHEST,
                       preferred_element_type=f32)

    arow = one_hot_feature(age_ref[...], atab_ref[...], 8)
    grow = one_hot_feature(gen_ref[...], gtab_ref[...], 3)
    orow = one_hot_feature(occ_ref[...], otab_ref[...], 32)
    for row in (arow, grow, orow):
        bias = bias + row[:, 0:1]
        e = row[:, 1:ROW]
        s = s + e
        qs = qs + jnp.sum(e * e, axis=1, keepdims=True)

    kidx = kind_ref[...]
    t20 = lax.broadcasted_iota(jnp.int32, (_BB, K), 1)
    counts = jnp.zeros((_BB, K), f32)
    for k in range(K):
        counts = counts + (kidx[:, k:k + 1] == t20).astype(f32)
    counts = jnp.where(t20 != 0, counts, 0.0)
    ktab = ktab_ref[...]
    krow = jnp.dot(counts, ktab, precision=lax.Precision.HIGHEST,
                   preferred_element_type=f32)
    kq = jnp.dot(counts, jnp.sum(ktab[:, 1:ROW] * ktab[:, 1:ROW], axis=1,
                                 keepdims=True),
                 precision=lax.Precision.HIGHEST,
                 preferred_element_type=f32)
    bias = bias + krow[:, 0:1]
    s = s + krow[:, 1:ROW]
    qs = qs + kq

    two = 0.5 * (jnp.sum(s * s, axis=1, keepdims=True) - qs)
    logit = bias + two
    p = 1.0 / (1.0 + jnp.exp(-logit))
    lab = lab_ref[...]
    bce = -(lab * jnp.log(p + 1e-6) + (1.0 - lab) * jnp.log(1.0 - p + 1e-6))
    part = jnp.sum(bce) * (1.0 / B)

    @pl.when(pl.program_id(0) == 0)
    def _():
        out_ref[...] = jnp.zeros_like(out_ref)

    out_ref[...] = out_ref[...] + part


def _tc_loss(urows, irows, age, gen, occ, kind, lab, atab, gtab, otab, ktab):
    grid = (B // _BB,)
    blk = lambda shape: pl.BlockSpec(shape, lambda i: (i, 0))
    rep = lambda shape: pl.BlockSpec(shape, lambda i: (0, 0))
    out = pl.pallas_call(
        _tc_body,
        grid=grid,
        in_specs=[
            blk((_BB, 128)), blk((_BB, 128)),
            blk((_BB, 1)), blk((_BB, 1)), blk((_BB, 1)),
            blk((_BB, K)), blk((_BB, 1)),
            rep((8, ROW)), rep((3, ROW)), rep((32, ROW)), rep((20, ROW)),
        ],
        out_specs=rep((1, 1)),
        out_shape=jax.ShapeDtypeStruct((1, 1), jnp.float32),
    )(urows, irows, age, gen, occ, kind, lab, atab, gtab, otab, ktab)
    return out[0, 0]


def kernel(userid, itemid, user_age, gender, user_occupation, item_kind,
           label, user_table, item_table, age_table, gender_table,
           occupation_table, kind_table):
    uid = userid.reshape(B).astype(jnp.int32)
    iid = itemid.reshape(B).astype(jnp.int32)
    up = jnp.pad(user_table, ((0, 0), (0, 128 - ROW)))
    ipad = jnp.pad(item_table, ((0, 0), (0, 128 - ROW)))
    urows, irows = _sc_gather(up, ipad, uid, iid)
    return _tc_loss(urows, irows, user_age, gender, user_occupation,
                    item_kind, label, age_table, gender_table,
                    occupation_table, kind_table)

# --- scband reference (transcript-rebuilt; emitter-appended) ---
"""Pipeline reference for scband-fmsort-model-35089882808864 (READ-ONLY COPY).

The authoritative reference and input builder live on the scoring server;
editing this copy changes nothing except your own understanding.
"""

import jax, jax.numpy as jnp
import numpy as np

DIM = 16
B = 16384
K = 20

def setup_inputs(seed: int = 0) -> dict:
    key = jax.random.key(seed)
    ks = jax.random.split(key, 13)
    userid = jax.random.randint(ks[0], (B, 1), 0, 1000000)
    itemid = jax.random.randint(ks[1], (B, 1), 0, 100000)
    user_age = jax.random.randint(ks[2], (B, 1), 0, 8)
    gender = jax.random.randint(ks[3], (B, 1), 0, 3)
    user_occupation = jax.random.randint(ks[4], (B, 1), 0, 32)
    item_kind = jax.random.randint(ks[5], (B, K), 0, 20)
    label = jax.random.uniform(ks[6], (B, 1), dtype=jnp.float32)
    user_table = jax.random.normal(ks[7], (1000000, 1 + DIM), dtype=jnp.float32) * 0.01
    item_table = jax.random.normal(ks[8], (100000, 1 + DIM), dtype=jnp.float32) * 0.01
    age_table = jax.random.normal(ks[9], (8, 1 + DIM), dtype=jnp.float32) * 0.01
    gender_table = jax.random.normal(ks[10], (3, 1 + DIM), dtype=jnp.float32) * 0.01
    occupation_table = jax.random.normal(ks[11], (32, 1 + DIM), dtype=jnp.float32) * 0.01
    kind_table = jax.random.normal(ks[12], (20, 1 + DIM), dtype=jnp.float32) * 0.01
    return {"userid": userid, "itemid": itemid, "user_age": user_age, "gender": gender,
            "user_occupation": user_occupation, "item_kind": item_kind, "label": label,
            "user_table": user_table, "item_table": item_table, "age_table": age_table,
            "gender_table": gender_table, "occupation_table": occupation_table, "kind_table": kind_table}

def reference(userid, itemid, user_age, gender, user_occupation, item_kind, label,
              user_table, item_table, age_table, gender_table, occupation_table, kind_table):
    uw = jnp.take(user_table, userid, axis=0)          # [B,1,1+dim]
    iw = jnp.take(item_table, itemid, axis=0)          # [B,1,1+dim]
    aw = jnp.take(age_table, user_age, axis=0)         # [B,1,1+dim]
    gw = jnp.take(gender_table, gender, axis=0)        # [B,1,1+dim]
    ow = jnp.take(occupation_table, user_occupation, axis=0)  # [B,1,1+dim]
    kw = jnp.take(kind_table, item_kind, axis=0)       # [B,K,1+dim]
    kmask = (item_kind != 0).astype(kw.dtype)[..., None]
    kw = kw * kmask
    one_order = (uw[..., 0] + iw[..., 0] + aw[..., 0] + ow[..., 0]
                 + jnp.sum(kw[..., 0], axis=-1, keepdims=True) + gw[..., 0])  # [B,1]
    two_emb = jnp.concatenate([uw[..., 1:], iw[..., 1:], aw[..., 1:], ow[..., 1:],
                               kw[..., 1:], gw[..., 1:]], axis=1)  # [B,F,dim]
    two = jnp.matmul(two_emb, jnp.swapaxes(two_emb, 1, 2))  # [B,F,F]
    F = two.shape[1]
    offdiag = (jnp.ones((F, F), dtype=two.dtype) - jnp.eye(F, dtype=two.dtype))[None]
    two = two * offdiag
    two = jnp.sum(two, axis=-1)
    two = jnp.sum(two, axis=-1)
    two = two / 2.0
    logit = one_order.reshape(-1, 1) + two.reshape(-1, 1)
    p = jax.nn.sigmoid(logit)
    loss = (-(label * jnp.log(p + 1e-06) + (1 - label) * jnp.log(1 - p + 1e-06))).sum() / label.shape[0]
    return loss

if __name__ == "__main__":
    import jax
    _d = setup_inputs()
    print(jax.jit(kernel)(*tuple(_d.values())))

</pallas_src>

<mosaic_0001>
#map = affine_map<(d0, d1) -> (0, 0)>
#map1 = affine_map<(d0, d1) -> (0)>
module attributes {stable_mosaic.version = 14 : i64} {
  func.func @k(%arg0: i32, %arg1: i32, %arg2: memref<1000000x128xf32, #tpu.memory_space<hbm>>, %arg3: memref<100000x128xf32, #tpu.memory_space<hbm>>, %arg4: memref<16384xi32, #tpu.memory_space<hbm>>, %arg5: memref<16384xi32, #tpu.memory_space<hbm>>, %arg6: memref<16384x128xf32, #tpu.memory_space<hbm>>, %arg7: memref<16384x128xf32, #tpu.memory_space<hbm>>, %arg8: memref<2x256xi32, #tpu.memory_space<vmem>>, %arg9: memref<2x256xi32, #tpu.memory_space<vmem>>, %arg10: memref<256x128xf32, #tpu.memory_space<vmem>>, %arg11: memref<256x128xf32, #tpu.memory_space<vmem>>, %arg12: memref<!tpu.dma_semaphore, #tpu.memory_space<semaphore_mem>>, %arg13: memref<!tpu.dma_semaphore, #tpu.memory_space<semaphore_mem>>) attributes {dimension_semantics = [#tpu.dimension_semantics<core_parallel>, #tpu.dimension_semantics<subcore_parallel>], iteration_bounds = array<i64: 2, 16>, scalar_prefetch = 0 : i64, scratch_operands = 6 : i64, tpu.core_type = #tpu.core_type<sc_vector_subcore>, window_params = [{transform_indices = #map}, {transform_indices = #map}, {transform_indices = #map1}, {transform_indices = #map1}, {transform_indices = #map}, {transform_indices = #map}]} {
    %mul3A = arith.constant 2 : i32
    %mul3A_0 = arith.muli %arg1, %mul3A : i32
    %add3A = arith.addi %mul3A_0, %arg0 : i32
    %mul3A_1 = arith.constant 512 : i32
    %mul3A_2 = arith.muli %add3A, %mul3A_1 : i32
    %add3A_3 = arith.constant 0 : i32
    %add3A_4 = arith.addi %mul3A_2, %add3A_3 : i32
    %run_scoped3A = arith.constant 0 : i32
    "tpu.region"() ({
      %run_scoped3A_64 = tpu.sem_alloc : memref<!tpu.dma_semaphore, #tpu.memory_space<semaphore_mem>>
      %dma_start3A_65 = arith.constant 0 : i32
      %dma_start3A_66 = tpu.memref_slice %arg8[%run_scoped3A, %dma_start3A_65] : memref<2x256xi32, #tpu.memory_space<vmem>> -> memref<1x256xi32, #tpu.memory_space<vmem>>
      %dma_start3A_67 = tpu.memref_squeeze %dma_start3A_66 : memref<1x256xi32, #tpu.memory_space<vmem>> -> memref<256xi32, #tpu.memory_space<vmem>>
      %dma_start3A_68 = tpu.memref_slice %arg4[%add3A_4] : memref<16384xi32, #tpu.memory_space<hbm>> -> memref<256xi32, #tpu.memory_space<hbm>>
      %dma_start3A_69 = arith.constant 0 : i32
      %dma_start3A_70 = tpu.memref_slice %arg8[%run_scoped3A, %dma_start3A_69] : memref<2x256xi32, #tpu.memory_space<vmem>> -> memref<1x256xi32, #tpu.memory_space<vmem>>
      %dma_start3A_71 = tpu.memref_squeeze %dma_start3A_70 : memref<1x256xi32, #tpu.memory_space<vmem>> -> memref<256xi32, #tpu.memory_space<vmem>>
      %dma_start3A_72 = tpu.memref_slice %arg4[%add3A_4] : memref<16384xi32, #tpu.memory_space<hbm>> -> memref<256xi32, #tpu.memory_space<hbm>>
      tpu.enqueue_dma source(%dma_start3A_72 : memref<256xi32, #tpu.memory_space<hbm>>) target(%dma_start3A_71 : memref<256xi32, #tpu.memory_space<vmem>>) target_semaphore(%run_scoped3A_64 : memref<!tpu.dma_semaphore, #tpu.memory_space<semaphore_mem>>)
      %dma_wait3A_73 = arith.constant 0 : i32
      %dma_wait3A_74 = tpu.memref_slice %arg8[%run_scoped3A, %dma_wait3A_73] : memref<2x256xi32, #tpu.memory_space<vmem>> -> memref<1x256xi32, #tpu.memory_space<vmem>>
      %dma_wait3A_75 = tpu.memref_squeeze %dma_wait3A_74 : memref<1x256xi32, #tpu.memory_space<vmem>> -> memref<256xi32, #tpu.memory_space<vmem>>
      %dma_wait3A_76 = tpu.memref_slice %arg4[%add3A_4] : memref<16384xi32, #tpu.memory_space<hbm>> -> memref<256xi32, #tpu.memory_space<hbm>>
      %dma_wait3A_77 = arith.constant 0 : i32
      %dma_wait3A_78 = tpu.memref_slice %arg8[%run_scoped3A, %dma_wait3A_77] : memref<2x256xi32, #tpu.memory_space<vmem>> -> memref<1x256xi32, #tpu.memory_space<vmem>>
      %dma_wait3A_79 = tpu.memref_squeeze %dma_wait3A_78 : memref<1x256xi32, #tpu.memory_space<vmem>> -> memref<256xi32, #tpu.memory_space<vmem>>
      %dma_wait3A_80 = tpu.memref_slice %arg4[%add3A_4] : memref<16384xi32, #tpu.memory_space<hbm>> -> memref<256xi32, #tpu.memory_space<hbm>>
      tpu.wait_dma2 semaphore(%run_scoped3A_64 : memref<!tpu.dma_semaphore, #tpu.memory_space<semaphore_mem>>) src(%dma_wait3A_80 : memref<256xi32, #tpu.memory_space<hbm>>) dst(%dma_wait3A_79 : memref<256xi32, #tpu.memory_space<vmem>>)
      tpu.yield
    }) : () -> ()
    %run_scoped3A_5 = arith.constant 0 : i32
    "tpu.region"() ({
      %run_scoped3A_64 = tpu.sem_alloc : memref<!tpu.dma_semaphore, #tpu.memory_space<semaphore_mem>>
      %dma_start3A_65 = arith.constant 0 : i32
      %dma_start3A_66 = tpu.memref_slice %arg9[%run_scoped3A_5, %dma_start3A_65] : memref<2x256xi32, #tpu.memory_space<vmem>> -> memref<1x256xi32, #tpu.memory_space<vmem>>
      %dma_start3A_67 = tpu.memref_squeeze %dma_start3A_66 : memref<1x256xi32, #tpu.memory_space<vmem>> -> memref<256xi32, #tpu.memory_space<vmem>>
      %dma_start3A_68 = tpu.memref_slice %arg5[%add3A_4] : memref<16384xi32, #tpu.memory_space<hbm>> -> memref<256xi32, #tpu.memory_space<hbm>>
      %dma_start3A_69 = arith.constant 0 : i32
      %dma_start3A_70 = tpu.memref_slice %arg9[%run_scoped3A_5, %dma_start3A_69] : memref<2x256xi32, #tpu.memory_space<vmem>> -> memref<1x256xi32, #tpu.memory_space<vmem>>
      %dma_start3A_71 = tpu.memref_squeeze %dma_start3A_70 : memref<1x256xi32, #tpu.memory_space<vmem>> -> memref<256xi32, #tpu.memory_space<vmem>>
      %dma_start3A_72 = tpu.memref_slice %arg5[%add3A_4] : memref<16384xi32, #tpu.memory_space<hbm>> -> memref<256xi32, #tpu.memory_space<hbm>>
      tpu.enqueue_dma source(%dma_start3A_72 : memref<256xi32, #tpu.memory_space<hbm>>) target(%dma_start3A_71 : memref<256xi32, #tpu.memory_space<vmem>>) target_semaphore(%run_scoped3A_64 : memref<!tpu.dma_semaphore, #tpu.memory_space<semaphore_mem>>)
      %dma_wait3A_73 = arith.constant 0 : i32
      %dma_wait3A_74 = tpu.memref_slice %arg9[%run_scoped3A_5, %dma_wait3A_73] : memref<2x256xi32, #tpu.memory_space<vmem>> -> memref<1x256xi32, #tpu.memory_space<vmem>>
      %dma_wait3A_75 = tpu.memref_squeeze %dma_wait3A_74 : memref<1x256xi32, #tpu.memory_space<vmem>> -> memref<256xi32, #tpu.memory_space<vmem>>
      %dma_wait3A_76 = tpu.memref_slice %arg5[%add3A_4] : memref<16384xi32, #tpu.memory_space<hbm>> -> memref<256xi32, #tpu.memory_space<hbm>>
      %dma_wait3A_77 = arith.constant 0 : i32
      %dma_wait3A_78 = tpu.memref_slice %arg9[%run_scoped3A_5, %dma_wait3A_77] : memref<2x256xi32, #tpu.memory_space<vmem>> -> memref<1x256xi32, #tpu.memory_space<vmem>>
      %dma_wait3A_79 = tpu.memref_squeeze %dma_wait3A_78 : memref<1x256xi32, #tpu.memory_space<vmem>> -> memref<256xi32, #tpu.memory_space<vmem>>
      %dma_wait3A_80 = tpu.memref_slice %arg5[%add3A_4] : memref<16384xi32, #tpu.memory_space<hbm>> -> memref<256xi32, #tpu.memory_space<hbm>>
      tpu.wait_dma2 semaphore(%run_scoped3A_64 : memref<!tpu.dma_semaphore, #tpu.memory_space<semaphore_mem>>) src(%dma_wait3A_80 : memref<256xi32, #tpu.memory_space<hbm>>) dst(%dma_wait3A_79 : memref<256xi32, #tpu.memory_space<vmem>>)
      tpu.yield
    }) : () -> ()
    %dma_start3A = arith.constant 0 : i32
    %dma_start3A_6 = arith.constant 0 : i32
    %dma_start3A_7 = tpu.memref_slice %arg8[%dma_start3A, %dma_start3A_6] : memref<2x256xi32, #tpu.memory_space<vmem>> -> memref<1x256xi32, #tpu.memory_space<vmem>>
    %dma_start3A_8 = tpu.memref_squeeze %dma_start3A_7 : memref<1x256xi32, #tpu.memory_space<vmem>> -> memref<256xi32, #tpu.memory_space<vmem>>
    %dma_start3A_9 = arith.constant 0 : i32
    %dma_start3A_10 = arith.constant 0 : i32
    %dma_start3A_11 = tpu.memref_slice %arg2[%dma_start3A_9, %dma_start3A_10] : memref<1000000x128xf32, #tpu.memory_space<hbm>> -> memref<1000000x128xf32, #tpu.memory_space<hbm>>
    tpu.enqueue_indirect_dma source(%dma_start3A_11 : memref<1000000x128xf32, #tpu.memory_space<hbm>>) target(%arg10 : memref<256x128xf32, #tpu.memory_space<vmem>>) offsets(%dma_start3A_8 : memref<256xi32, #tpu.memory_space<vmem>>) semaphore(%arg12 : memref<!tpu.dma_semaphore, #tpu.memory_space<semaphore_mem>>)
    %dma_start3A_12 = arith.constant 0 : i32
    %dma_start3A_13 = arith.constant 0 : i32
    %dma_start3A_14 = tpu.memref_slice %arg9[%dma_start3A_12, %dma_start3A_13] : memref<2x256xi32, #tpu.memory_space<vmem>> -> memref<1x256xi32, #tpu.memory_space<vmem>>
    %dma_start3A_15 = tpu.memref_squeeze %dma_start3A_14 : memref<1x256xi32, #tpu.memory_space<vmem>> -> memref<256xi32, #tpu.memory_space<vmem>>
    %dma_start3A_16 = arith.constant 0 : i32
    %dma_start3A_17 = arith.constant 0 : i32
    %dma_start3A_18 = tpu.memref_slice %arg3[%dma_start3A_16, %dma_start3A_17] : memref<100000x128xf32, #tpu.memory_space<hbm>> -> memref<100000x128xf32, #tpu.memory_space<hbm>>
    tpu.enqueue_indirect_dma source(%dma_start3A_18 : memref<100000x128xf32, #tpu.memory_space<hbm>>) target(%arg11 : memref<256x128xf32, #tpu.memory_space<vmem>>) offsets(%dma_start3A_15 : memref<256xi32, #tpu.memory_space<vmem>>) semaphore(%arg13 : memref<!tpu.dma_semaphore, #tpu.memory_space<semaphore_mem>>)
    %dma_wait3A = arith.constant 0 : i32
    %dma_wait3A_19 = arith.constant 0 : i32
    %dma_wait3A_20 = tpu.memref_slice %arg8[%dma_wait3A, %dma_wait3A_19] : memref<2x256xi32, #tpu.memory_space<vmem>> -> memref<1x256xi32, #tpu.memory_space<vmem>>
    %dma_wait3A_21 = tpu.memref_squeeze %dma_wait3A_20 : memref<1x256xi32, #tpu.memory_space<vmem>> -> memref<256xi32, #tpu.memory_space<vmem>>
    %dma_wait3A_22 = arith.constant 0 : i32
    %dma_wait3A_23 = arith.constant 0 : i32
    %dma_wait3A_24 = tpu.memref_slice %arg2[%dma_wait3A_22, %dma_wait3A_23] : memref<1000000x128xf32, #tpu.memory_space<hbm>> -> memref<1000000x128xf32, #tpu.memory_space<hbm>>
    tpu.wait_indirect_dma semaphore(%arg12 : memref<!tpu.dma_semaphore, #tpu.memory_space<semaphore_mem>>) src(%dma_wait3A_24 : memref<1000000x128xf32, #tpu.memory_space<hbm>>) dst(%arg10 : memref<256x128xf32, #tpu.memory_space<vmem>>)
    "tpu.region"() ({
      %run_scoped3A_64 = tpu.sem_alloc : memref<!tpu.dma_semaphore, #tpu.memory_space<semaphore_mem>>
      %dma_start3A_65 = arith.constant 0 : i32
      %dma_start3A_66 = tpu.memref_slice %arg6[%add3A_4, %dma_start3A_65] : memref<16384x128xf32, #tpu.memory_space<hbm>> -> memref<256x128xf32, #tpu.memory_space<hbm>>
      %dma_start3A_67 = arith.constant 0 : i32
      %dma_start3A_68 = tpu.memref_slice %arg6[%add3A_4, %dma_start3A_67] : memref<16384x128xf32, #tpu.memory_space<hbm>> -> memref<256x128xf32, #tpu.memory_space<hbm>>
      tpu.enqueue_dma source(%arg10 : memref<256x128xf32, #tpu.memory_space<vmem>>) target(%dma_start3A_68 : memref<256x128xf32, #tpu.memory_space<hbm>>) target_semaphore(%run_scoped3A_64 : memref<!tpu.dma_semaphore, #tpu.memory_space<semaphore_mem>>)
      %dma_wait3A_69 = arith.constant 0 : i32
      %dma_wait3A_70 = tpu.memref_slice %arg6[%add3A_4, %dma_wait3A_69] : memref<16384x128xf32, #tpu.memory_space<hbm>> -> memref<256x128xf32, #tpu.memory_space<hbm>>
      %dma_wait3A_71 = arith.constant 0 : i32
      %dma_wait3A_72 = tpu.memref_slice %arg6[%add3A_4, %dma_wait3A_71] : memref<16384x128xf32, #tpu.memory_space<hbm>> -> memref<256x128xf32, #tpu.memory_space<hbm>>
      tpu.wait_dma2 semaphore(%run_scoped3A_64 : memref<!tpu.dma_semaphore, #tpu.memory_space<semaphore_mem>>) src(%arg10 : memref<256x128xf32, #tpu.memory_space<vmem>>) dst(%dma_wait3A_72 : memref<256x128xf32, #tpu.memory_space<hbm>>)
      tpu.yield
    }) : () -> ()
    %dma_wait3A_25 = arith.constant 0 : i32
    %dma_wait3A_26 = arith.constant 0 : i32
    %dma_wait3A_27 = tpu.memref_slice %arg9[%dma_wait3A_25, %dma_wait3A_26] : memref<2x256xi32, #tpu.memory_space<vmem>> -> memref<1x256xi32, #tpu.memory_space<vmem>>
    %dma_wait3A_28 = tpu.memref_squeeze %dma_wait3A_27 : memref<1x256xi32, #tpu.memory_space<vmem>> -> memref<256xi32, #tpu.memory_space<vmem>>
    %dma_wait3A_29 = arith.constant 0 : i32
    %dma_wait3A_30 = arith.constant 0 : i32
    %dma_wait3A_31 = tpu.memref_slice %arg3[%dma_wait3A_29, %dma_wait3A_30] : memref<100000x128xf32, #tpu.memory_space<hbm>> -> memref<100000x128xf32, #tpu.memory_space<hbm>>
    tpu.wait_indirect_dma semaphore(%arg13 : memref<!tpu.dma_semaphore, #tpu.memory_space<semaphore_mem>>) src(%dma_wait3A_31 : memref<100000x128xf32, #tpu.memory_space<hbm>>) dst(%arg11 : memref<256x128xf32, #tpu.memory_space<vmem>>)
    "tpu.region"() ({
      %run_scoped3A_64 = tpu.sem_alloc : memref<!tpu.dma_semaphore, #tpu.memory_space<semaphore_mem>>
      %dma_start3A_65 = arith.constant 0 : i32
      %dma_start3A_66 = tpu.memref_slice %arg7[%add3A_4, %dma_start3A_65] : memref<16384x128xf32, #tpu.memory_space<hbm>> -> memref<256x128xf32, #tpu.memory_space<hbm>>
      %dma_start3A_67 = arith.constant 0 : i32
      %dma_start3A_68 = tpu.memref_slice %arg7[%add3A_4, %dma_start3A_67] : memref<16384x128xf32, #tpu.memory_space<hbm>> -> memref<256x128xf32, #tpu.memory_space<hbm>>
      tpu.enqueue_dma source(%arg11 : memref<256x128xf32, #tpu.memory_space<vmem>>) target(%dma_start3A_68 : memref<256x128xf32, #tpu.memory_space<hbm>>) target_semaphore(%run_scoped3A_64 : memref<!tpu.dma_semaphore, #tpu.memory_space<semaphore_mem>>)
      %dma_wait3A_69 = arith.constant 0 : i32
      %dma_wait3A_70 = tpu.memref_slice %arg7[%add3A_4, %dma_wait3A_69] : memref<16384x128xf32, #tpu.memory_space<hbm>> -> memref<256x128xf32, #tpu.memory_space<hbm>>
      %dma_wait3A_71 = arith.constant 0 : i32
      %dma_wait3A_72 = tpu.memref_slice %arg7[%add3A_4, %dma_wait3A_71] : memref<16384x128xf32, #tpu.memory_space<hbm>> -> memref<256x128xf32, #tpu.memory_space<hbm>>
      tpu.wait_dma2 semaphore(%run_scoped3A_64 : memref<!tpu.dma_semaphore, #tpu.memory_space<semaphore_mem>>) src(%arg11 : memref<256x128xf32, #tpu.memory_space<vmem>>) dst(%dma_wait3A_72 : memref<256x128xf32, #tpu.memory_space<hbm>>)
      tpu.yield
    }) : () -> ()
    %add3A_32 = arith.constant 256 : i32
    %add3A_33 = arith.addi %mul3A_2, %add3A_32 : i32
    %run_scoped3A_34 = arith.constant 1 : i32
    "tpu.region"() ({
      %run_scoped3A_64 = tpu.sem_alloc : memref<!tpu.dma_semaphore, #tpu.memory_space<semaphore_mem>>
      %dma_start3A_65 = arith.constant 0 : i32
      %dma_start3A_66 = tpu.memref_slice %arg8[%run_scoped3A_34, %dma_start3A_65] : memref<2x256xi32, #tpu.memory_space<vmem>> -> memref<1x256xi32, #tpu.memory_space<vmem>>
      %dma_start3A_67 = tpu.memref_squeeze %dma_start3A_66 : memref<1x256xi32, #tpu.memory_space<vmem>> -> memref<256xi32, #tpu.memory_space<vmem>>
      %dma_start3A_68 = tpu.memref_slice %arg4[%add3A_33] : memref<16384xi32, #tpu.memory_space<hbm>> -> memref<256xi32, #tpu.memory_space<hbm>>
      %dma_start3A_69 = arith.constant 0 : i32
      %dma_start3A_70 = tpu.memref_slice %arg8[%run_scoped3A_34, %dma_start3A_69] : memref<2x256xi32, #tpu.memory_space<vmem>> -> memref<1x256xi32, #tpu.memory_space<vmem>>
      %dma_start3A_71 = tpu.memref_squeeze %dma_start3A_70 : memref<1x256xi32, #tpu.memory_space<vmem>> -> memref<256xi32, #tpu.memory_space<vmem>>
      %dma_start3A_72 = tpu.memref_slice %arg4[%add3A_33] : memref<16384xi32, #tpu.memory_space<hbm>> -> memref<256xi32, #tpu.memory_space<hbm>>
      tpu.enqueue_dma source(%dma_start3A_72 : memref<256xi32, #tpu.memory_space<hbm>>) target(%dma_start3A_71 : memref<256xi32, #tpu.memory_space<vmem>>) target_semaphore(%run_scoped3A_64 : memref<!tpu.dma_semaphore, #tpu.memory_space<semaphore_mem>>)
      %dma_wait3A_73 = arith.constant 0 : i32
      %dma_wait3A_74 = tpu.memref_slice %arg8[%run_scoped3A_34, %dma_wait3A_73] : memref<2x256xi32, #tpu.memory_space<vmem>> -> memref<1x256xi32, #tpu.memory_space<vmem>>
      %dma_wait3A_75 = tpu.memref_squeeze %dma_wait3A_74 : memref<1x256xi32, #tpu.memory_space<vmem>> -> memref<256xi32, #tpu.memory_space<vmem>>
      %dma_wait3A_76 = tpu.memref_slice %arg4[%add3A_33] : memref<16384xi32, #tpu.memory_space<hbm>> -> memref<256xi32, #tpu.memory_space<hbm>>
      %dma_wait3A_77 = arith.constant 0 : i32
      %dma_wait3A_78 = tpu.memref_slice %arg8[%run_scoped3A_34, %dma_wait3A_77] : memref<2x256xi32, #tpu.memory_space<vmem>> -> memref<1x256xi32, #tpu.memory_space<vmem>>
      %dma_wait3A_79 = tpu.memref_squeeze %dma_wait3A_78 : memref<1x256xi32, #tpu.memory_space<vmem>> -> memref<256xi32, #tpu.memory_space<vmem>>
      %dma_wait3A_80 = tpu.memref_slice %arg4[%add3A_33] : memref<16384xi32, #tpu.memory_space<hbm>> -> memref<256xi32, #tpu.memory_space<hbm>>
      tpu.wait_dma2 semaphore(%run_scoped3A_64 : memref<!tpu.dma_semaphore, #tpu.memory_space<semaphore_mem>>) src(%dma_wait3A_80 : memref<256xi32, #tpu.memory_space<hbm>>) dst(%dma_wait3A_79 : memref<256xi32, #tpu.memory_space<vmem>>)
      tpu.yield
    }) : () -> ()
    %run_scoped3A_35 = arith.constant 1 : i32
    "tpu.region"() ({
      %run_scoped3A_64 = tpu.sem_alloc : memref<!tpu.dma_semaphore, #tpu.memory_space<semaphore_mem>>
      %dma_start3A_65 = arith.constant 0 : i32
      %dma_start3A_66 = tpu.memref_slice %arg9[%run_scoped3A_35, %dma_start3A_65] : memref<2x256xi32, #tpu.memory_space<vmem>> -> memref<1x256xi32, #tpu.memory_space<vmem>>
      %dma_start3A_67 = tpu.memref_squeeze %dma_start3A_66 : memref<1x256xi32, #tpu.memory_space<vmem>> -> memref<256xi32, #tpu.memory_space<vmem>>
      %dma_start3A_68 = tpu.memref_slice %arg5[%add3A_33] : memref<16384xi32, #tpu.memory_space<hbm>> -> memref<256xi32, #tpu.memory_space<hbm>>
      %dma_start3A_69 = arith.constant 0 : i32
      %dma_start3A_70 = tpu.memref_slice %arg9[%run_scoped3A_35, %dma_start3A_69] : memref<2x256xi32, #tpu.memory_space<vmem>> -> memref<1x256xi32, #tpu.memory_space<vmem>>
      %dma_start3A_71 = tpu.memref_squeeze %dma_start3A_70 : memref<1x256xi32, #tpu.memory_space<vmem>> -> memref<256xi32, #tpu.memory_space<vmem>>
      %dma_start3A_72 = tpu.memref_slice %arg5[%add3A_33] : memref<16384xi32, #tpu.memory_space<hbm>> -> memref<256xi32, #tpu.memory_space<hbm>>
      tpu.enqueue_dma source(%dma_start3A_72 : memref<256xi32, #tpu.memory_space<hbm>>) target(%dma_start3A_71 : memref<256xi32, #tpu.memory_space<vmem>>) target_semaphore(%run_scoped3A_64 : memref<!tpu.dma_semaphore, #tpu.memory_space<semaphore_mem>>)
      %dma_wait3A_73 = arith.constant 0 : i32
      %dma_wait3A_74 = tpu.memref_slice %arg9[%run_scoped3A_35, %dma_wait3A_73] : memref<2x256xi32, #tpu.memory_space<vmem>> -> memref<1x256xi32, #tpu.memory_space<vmem>>
      %dma_wait3A_75 = tpu.memref_squeeze %dma_wait3A_74 : memref<1x256xi32, #tpu.memory_space<vmem>> -> memref<256xi32, #tpu.memory_space<vmem>>
      %dma_wait3A_76 = tpu.memref_slice %arg5[%add3A_33] : memref<16384xi32, #tpu.memory_space<hbm>> -> memref<256xi32, #tpu.memory_space<hbm>>
      %dma_wait3A_77 = arith.constant 0 : i32
      %dma_wait3A_78 = tpu.memref_slice %arg9[%run_scoped3A_35, %dma_wait3A_77] : memref<2x256xi32, #tpu.memory_space<vmem>> -> memref<1x256xi32, #tpu.memory_space<vmem>>
      %dma_wait3A_79 = tpu.memref_squeeze %dma_wait3A_78 : memref<1x256xi32, #tpu.memory_space<vmem>> -> memref<256xi32, #tpu.memory_space<vmem>>
      %dma_wait3A_80 = tpu.memref_slice %arg5[%add3A_33] : memref<16384xi32, #tpu.memory_space<hbm>> -> memref<256xi32, #tpu.memory_space<hbm>>
      tpu.wait_dma2 semaphore(%run_scoped3A_64 : memref<!tpu.dma_semaphore, #tpu.memory_space<semaphore_mem>>) src(%dma_wait3A_80 : memref<256xi32, #tpu.memory_space<hbm>>) dst(%dma_wait3A_79 : memref<256xi32, #tpu.memory_space<vmem>>)
      tpu.yield
    }) : () -> ()
    %dma_start3A_36 = arith.constant 1 : i32
    %dma_start3A_37 = arith.constant 0 : i32
    %dma_start3A_38 = tpu.memref_slice %arg8[%dma_start3A_36, %dma_start3A_37] : memref<2x256xi32, #tpu.memory_space<vmem>> -> memref<1x256xi32, #tpu.memory_space<vmem>>
    %dma_start3A_39 = tpu.memref_squeeze %dma_start3A_38 : memref<1x256xi32, #tpu.memory_space<vmem>> -> memref<256xi32, #tpu.memory_space<vmem>>
    %dma_start3A_40 = arith.constant 0 : i32
    %dma_start3A_41 = arith.constant 0 : i32
    %dma_start3A_42 = tpu.memref_slice %arg2[%dma_start3A_40, %dma_start3A_41] : memref<1000000x128xf32, #tpu.memory_space<hbm>> -> memref<1000000x128xf32, #tpu.memory_space<hbm>>
    tpu.enqueue_indirect_dma source(%dma_start3A_42 : memref<1000000x128xf32, #tpu.memory_space<hbm>>) target(%arg10 : memref<256x128xf32, #tpu.memory_space<vmem>>) offsets(%dma_start3A_39 : memref<256xi32, #tpu.memory_space<vmem>>) semaphore(%arg12 : memref<!tpu.dma_semaphore, #tpu.memory_space<semaphore_mem>>)
    %dma_start3A_43 = arith.constant 1 : i32
    %dma_start3A_44 = arith.constant 0 : i32
    %dma_start3A_45 = tpu.memref_slice %arg9[%dma_start3A_43, %dma_start3A_44] : memref<2x256xi32, #tpu.memory_space<vmem>> -> memref<1x256xi32, #tpu.memory_space<vmem>>
    %dma_start3A_46 = tpu.memref_squeeze %dma_start3A_45 : memref<1x256xi32, #tpu.memory_space<vmem>> -> memref<256xi32, #tpu.memory_space<vmem>>
    %dma_start3A_47 = arith.constant 0 : i32
    %dma_start3A_48 = arith.constant 0 : i32
    %dma_start3A_49 = tpu.memref_slice %arg3[%dma_start3A_47, %dma_start3A_48] : memref<100000x128xf32, #tpu.memory_space<hbm>> -> memref<100000x128xf32, #tpu.memory_space<hbm>>
    tpu.enqueue_indirect_dma source(%dma_start3A_49 : memref<100000x128xf32, #tpu.memory_space<hbm>>) target(%arg11 : memref<256x128xf32, #tpu.memory_space<vmem>>) offsets(%dma_start3A_46 : memref<256xi32, #tpu.memory_space<vmem>>) semaphore(%arg13 : memref<!tpu.dma_semaphore, #tpu.memory_space<semaphore_mem>>)
    %dma_wait3A_50 = arith.constant 1 : i32
    %dma_wait3A_51 = arith.constant 0 : i32
    %dma_wait3A_52 = tpu.memref_slice %arg8[%dma_wait3A_50, %dma_wait3A_51] : memref<2x256xi32, #tpu.memory_space<vmem>> -> memref<1x256xi32, #tpu.memory_space<vmem>>
    %dma_wait3A_53 = tpu.memref_squeeze %dma_wait3A_52 : memref<1x256xi32, #tpu.memory_space<vmem>> -> memref<256xi32, #tpu.memory_space<vmem>>
    %dma_wait3A_54 = arith.constant 0 : i32
    %dma_wait3A_55 = arith.constant 0 : i32
    %dma_wait3A_56 = tpu.memref_slice %arg2[%dma_wait3A_54, %dma_wait3A_55] : memref<1000000x128xf32, #tpu.memory_space<hbm>> -> memref<1000000x128xf32, #tpu.memory_space<hbm>>
    tpu.wait_indirect_dma semaphore(%arg12 : memref<!tpu.dma_semaphore, #tpu.memory_space<semaphore_mem>>) src(%dma_wait3A_56 : memref<1000000x128xf32, #tpu.memory_space<hbm>>) dst(%arg10 : memref<256x128xf32, #tpu.memory_space<vmem>>)
    "tpu.region"() ({
      %run_scoped3A_64 = tpu.sem_alloc : memref<!tpu.dma_semaphore, #tpu.memory_space<semaphore_mem>>
      %dma_start3A_65 = arith.constant 0 : i32
      %dma_start3A_66 = tpu.memref_slice %arg6[%add3A_33, %dma_start3A_65] : memref<16384x128xf32, #tpu.memory_space<hbm>> -> memref<256x128xf32, #tpu.memory_space<hbm>>
      %dma_start3A_67 = arith.constant 0 : i32
      %dma_start3A_68 = tpu.memref_slice %arg6[%add3A_33, %dma_start3A_67] : memref<16384x128xf32, #tpu.memory_space<hbm>> -> memref<256x128xf32, #tpu.memory_space<hbm>>
      tpu.enqueue_dma source(%arg10 : memref<256x128xf32, #tpu.memory_space<vmem>>) target(%dma_start3A_68 : memref<256x128xf32, #tpu.memory_space<hbm>>) target_semaphore(%run_scoped3A_64 : memref<!tpu.dma_semaphore, #tpu.memory_space<semaphore_mem>>)
      %dma_wait3A_69 = arith.constant 0 : i32
      %dma_wait3A_70 = tpu.memref_slice %arg6[%add3A_33, %dma_wait3A_69] : memref<16384x128xf32, #tpu.memory_space<hbm>> -> memref<256x128xf32, #tpu.memory_space<hbm>>
      %dma_wait3A_71 = arith.constant 0 : i32
      %dma_wait3A_72 = tpu.memref_slice %arg6[%add3A_33, %dma_wait3A_71] : memref<16384x128xf32, #tpu.memory_space<hbm>> -> memref<256x128xf32, #tpu.memory_space<hbm>>
      tpu.wait_dma2 semaphore(%run_scoped3A_64 : memref<!tpu.dma_semaphore, #tpu.memory_space<semaphore_mem>>) src(%arg10 : memref<256x128xf32, #tpu.memory_space<vmem>>) dst(%dma_wait3A_72 : memref<256x128xf32, #tpu.memory_space<hbm>>)
      tpu.yield
    }) : () -> ()
    %dma_wait3A_57 = arith.constant 1 : i32
    %dma_wait3A_58 = arith.constant 0 : i32
    %dma_wait3A_59 = tpu.memref_slice %arg9[%dma_wait3A_57, %dma_wait3A_58] : memref<2x256xi32, #tpu.memory_space<vmem>> -> memref<1x256xi32, #tpu.memory_space<vmem>>
    %dma_wait3A_60 = tpu.memref_squeeze %dma_wait3A_59 : memref<1x256xi32, #tpu.memory_space<vmem>> -> memref<256xi32, #tpu.memory_space<vmem>>
    %dma_wait3A_61 = arith.constant 0 : i32
    %dma_wait3A_62 = arith.constant 0 : i32
    %dma_wait3A_63 = tpu.memref_slice %arg3[%dma_wait3A_61, %dma_wait3A_62] : memref<100000x128xf32, #tpu.memory_space<hbm>> -> memref<100000x128xf32, #tpu.memory_space<hbm>>
    tpu.wait_indirect_dma semaphore(%arg13 : memref<!tpu.dma_semaphore, #tpu.memory_space<semaphore_mem>>) src(%dma_wait3A_63 : memref<100000x128xf32, #tpu.memory_space<hbm>>) dst(%arg11 : memref<256x128xf32, #tpu.memory_space<vmem>>)
    "tpu.region"() ({
      %run_scoped3A_64 = tpu.sem_alloc : memref<!tpu.dma_semaphore, #tpu.memory_space<semaphore_mem>>
      %dma_start3A_65 = arith.constant 0 : i32
      %dma_start3A_66 = tpu.memref_slice %arg7[%add3A_33, %dma_start3A_65] : memref<16384x128xf32, #tpu.memory_space<hbm>> -> memref<256x128xf32, #tpu.memory_space<hbm>>
      %dma_start3A_67 = arith.constant 0 : i32
      %dma_start3A_68 = tpu.memref_slice %arg7[%add3A_33, %dma_start3A_67] : memref<16384x128xf32, #tpu.memory_space<hbm>> -> memref<256x128xf32, #tpu.memory_space<hbm>>
      tpu.enqueue_dma source(%arg11 : memref<256x128xf32, #tpu.memory_space<vmem>>) target(%dma_start3A_68 : memref<256x128xf32, #tpu.memory_space<hbm>>) target_semaphore(%run_scoped3A_64 : memref<!tpu.dma_semaphore, #tpu.memory_space<semaphore_mem>>)
      %dma_wait3A_69 = arith.constant 0 : i32
      %dma_wait3A_70 = tpu.memref_slice %arg7[%add3A_33, %dma_wait3A_69] : memref<16384x128xf32, #tpu.memory_space<hbm>> -> memref<256x128xf32, #tpu.memory_space<hbm>>
      %dma_wait3A_71 = arith.constant 0 : i32
      %dma_wait3A_72 = tpu.memref_slice %arg7[%add3A_33, %dma_wait3A_71] : memref<16384x128xf32, #tpu.memory_space<hbm>> -> memref<256x128xf32, #tpu.memory_space<hbm>>
      tpu.wait_dma2 semaphore(%run_scoped3A_64 : memref<!tpu.dma_semaphore, #tpu.memory_space<semaphore_mem>>) src(%arg11 : memref<256x128xf32, #tpu.memory_space<vmem>>) dst(%dma_wait3A_72 : memref<256x128xf32, #tpu.memory_space<hbm>>)
      tpu.yield
    }) : () -> ()
    return
  }
}

module attributes {stable_mosaic.version = 14 : i64} {
  func.func @_tc_body(%arg0: i32, %arg1: memref<2048x128xf32, #tpu.memory_space<vmem>>, %arg2: memref<2048x128xf32, #tpu.memory_space<vmem>>, %arg3: memref<2048x1xi32, #tpu.memory_space<vmem>>, %arg4: memref<2048x1xi32, #tpu.memory_space<vmem>>, %arg5: memref<2048x1xi32, #tpu.memory_space<vmem>>, %arg6: memref<2048x20xi32, #tpu.memory_space<vmem>>, %arg7: memref<2048x1xf32, #tpu.memory_space<vmem>>, %arg8: memref<8x17xf32, #tpu.memory_space<vmem>>, %arg9: memref<3x17xf32, #tpu.memory_space<vmem>>, %arg10: memref<32x17xf32, #tpu.memory_space<vmem>>, %arg11: memref<20x17xf32, #tpu.memory_space<vmem>>, %arg12: memref<1x1xf32, #tpu.memory_space<vmem>>) attributes {dimension_semantics = [#tpu.dimension_semantics<arbitrary>], iteration_bounds = array<i64: 8>, scalar_prefetch = 0 : i64, scratch_operands = 0 : i64, tpu.core_type = #tpu.core_type<tc>, window_params = [{transform_indices = @transform_0, window_bounds = array<i64: 2048, 128>}, {transform_indices = @transform_1, window_bounds = array<i64: 2048, 128>}, {transform_indices = @transform_2, window_bounds = array<i64: 2048, 1>}, {transform_indices = @transform_3, window_bounds = array<i64: 2048, 1>}, {transform_indices = @transform_4, window_bounds = array<i64: 2048, 1>}, {transform_indices = @transform_5, window_bounds = array<i64: 2048, 20>}, {transform_indices = @transform_6, window_bounds = array<i64: 2048, 1>}, {pipeline_mode = #tpu.pipeline_mode<synchronous>, transform_indices = @transform_7, window_bounds = array<i64: 8, 17>}, {pipeline_mode = #tpu.pipeline_mode<synchronous>, transform_indices = @transform_8, window_bounds = array<i64: 3, 17>}, {pipeline_mode = #tpu.pipeline_mode<synchronous>, transform_indices = @transform_9, window_bounds = array<i64: 32, 17>}, {pipeline_mode = #tpu.pipeline_mode<synchronous>, transform_indices = @transform_10, window_bounds = array<i64: 20, 17>}, {pipeline_mode = #tpu.pipeline_mode<synchronous>, transform_indices = @transform_11, window_bounds = array<i64: 1, 1>}]} {
    %get3A = arith.constant 0 : index
    %get3A_0 = arith.constant 0 : index
    %get3A_1 = vector.load %arg1[%get3A, %get3A_0] : memref<2048x128xf32, #tpu.memory_space<vmem>>, vector<2048x128xf32>
    %get3A_2 = arith.constant 0 : index
    %get3A_3 = arith.constant 0 : index
    %get3A_4 = vector.load %arg2[%get3A_2, %get3A_3] : memref<2048x128xf32, #tpu.memory_space<vmem>>, vector<2048x128xf32>
    %slice3A = vector.extract_strided_slice %get3A_1 {offsets = [0, 1], sizes = [2048, 16], strides = [1, 1]} : vector<2048x128xf32> to vector<2048x16xf32>
    %slice3A_5 = vector.extract_strided_slice %get3A_4 {offsets = [0, 1], sizes = [2048, 16], strides = [1, 1]} : vector<2048x128xf32> to vector<2048x16xf32>
    %add3A = arith.addf %slice3A, %slice3A_5 : vector<2048x16xf32>
    %mul3A = arith.mulf %slice3A, %slice3A : vector<2048x16xf32>
    %mul3A_6 = arith.mulf %slice3A_5, %slice3A_5 : vector<2048x16xf32>
    %add3A_7 = arith.addf %mul3A, %mul3A_6 : vector<2048x16xf32>
    %reduce_sum3A = arith.constant dense<0.000000e+00> : vector<2048xf32>
    %reduce_sum3A_8 = vector.multi_reduction <add>, %add3A_7, %reduce_sum3A [1] : vector<2048x16xf32> to vector<2048xf32>
    %broadcast_in_dim3A = vector.shape_cast %reduce_sum3A_8 : vector<2048xf32> to vector<2048x1xf32>
    %slice3A_9 = vector.extract_strided_slice %get3A_1 {offsets = [0, 0], sizes = [2048, 1], strides = [1, 1]} : vector<2048x128xf32> to vector<2048x1xf32>
    %slice3A_10 = vector.extract_strided_slice %get3A_4 {offsets = [0, 0], sizes = [2048, 1], strides = [1, 1]} : vector<2048x128xf32> to vector<2048x1xf32>
    %add3A_11 = arith.addf %slice3A_9, %slice3A_10 : vector<2048x1xf32>
    %get3A_12 = arith.constant 0 : index
    %get3A_13 = arith.constant 0 : index
    %get3A_14 = vector.load %arg3[%get3A_12, %get3A_13] : memref<2048x1xi32, #tpu.memory_space<vmem>>, vector<2048x1xi32>
    %get3A_15 = arith.constant 0 : index
    %get3A_16 = arith.constant 0 : index
    %get3A_17 = vector.load %arg8[%get3A_15, %get3A_16] : memref<8x17xf32, #tpu.memory_space<vmem>>, vector<8x17xf32>
    %iota3A = tpu.iota {dimensions = array<i32: 1>} : vector<2048x8xi32>
    %eq3A = vector.broadcast %get3A_14 : vector<2048x1xi32> to vector<2048x8xi32>
    %eq3A_18 = arith.cmpi eq, %eq3A, %iota3A : vector<2048x8xi32>
    %convert_element_type3A = arith.extui %eq3A_18 : vector<2048x8xi1> to vector<2048x8xi32>
    %convert_element_type3A_19 = arith.sitofp %convert_element_type3A : vector<2048x8xi32> to vector<2048x8xf32>
    %dot_general3A = arith.constant dense<0.000000e+00> : vector<2048x17xf32>
    %dot_general3A_20 = tpu.matmul %convert_element_type3A_19, %get3A_17, %dot_general3A {dimension_numbers = #tpu.dot_dimension_numbers<[1], [0], [0], [1], [0, 0, 1, 1], [], []>, precision = #tpu.contract_precision<fp32>, transpose_lhs_hint = false} : vector<2048x8xf32>, vector<8x17xf32>, vector<2048x17xf32> -> vector<2048x17xf32>
    %get3A_21 = arith.constant 0 : index
    %get3A_22 = arith.constant 0 : index
    %get3A_23 = vector.load %arg4[%get3A_21, %get3A_22] : memref<2048x1xi32, #tpu.memory_space<vmem>>, vector<2048x1xi32>
    %get3A_24 = arith.constant 0 : index
    %get3A_25 = arith.constant 0 : index
    %get3A_26 = vector.load %arg9[%get3A_24, %get3A_25] : memref<3x17xf32, #tpu.memory_space<vmem>>, vector<3x17xf32>
    %iota3A_27 = tpu.iota {dimensions = array<i32: 1>} : vector<2048x3xi32>
    %eq3A_28 = vector.broadcast %get3A_23 : vector<2048x1xi32> to vector<2048x3xi32>
    %eq3A_29 = arith.cmpi eq, %eq3A_28, %iota3A_27 : vector<2048x3xi32>
    %convert_element_type3A_30 = arith.extui %eq3A_29 : vector<2048x3xi1> to vector<2048x3xi32>
    %convert_element_type3A_31 = arith.sitofp %convert_element_type3A_30 : vector<2048x3xi32> to vector<2048x3xf32>
    %dot_general3A_32 = arith.constant dense<0.000000e+00> : vector<2048x17xf32>
    %dot_general3A_33 = tpu.matmul %convert_element_type3A_31, %get3A_26, %dot_general3A_32 {dimension_numbers = #tpu.dot_dimension_numbers<[1], [0], [0], [1], [0, 0, 1, 1], [], []>, precision = #tpu.contract_precision<fp32>, transpose_lhs_hint = false} : vector<2048x3xf32>, vector<3x17xf32>, vector<2048x17xf32> -> vector<2048x17xf32>
    %get3A_34 = arith.constant 0 : index
    %get3A_35 = arith.constant 0 : index
    %get3A_36 = vector.load %arg5[%get3A_34, %get3A_35] : memref<2048x1xi32, #tpu.memory_space<vmem>>, vector<2048x1xi32>
    %get3A_37 = arith.constant 0 : index
    %get3A_38 = arith.constant 0 : index
    %get3A_39 = vector.load %arg10[%get3A_37, %get3A_38] : memref<32x17xf32, #tpu.memory_space<vmem>>, vector<32x17xf32>
    %iota3A_40 = tpu.iota {dimensions = array<i32: 1>} : vector<2048x32xi32>
    %eq3A_41 = vector.broadcast %get3A_36 : vector<2048x1xi32> to vector<2048x32xi32>
    %eq3A_42 = arith.cmpi eq, %eq3A_41, %iota3A_40 : vector<2048x32xi32>
    %convert_element_type3A_43 = arith.extui %eq3A_42 : vector<2048x32xi1> to vector<2048x32xi32>
    %convert_element_type3A_44 = arith.sitofp %convert_element_type3A_43 : vector<2048x32xi32> to vector<2048x32xf32>
    %dot_general3A_45 = arith.constant dense<0.000000e+00> : vector<2048x17xf32>
    %dot_general3A_46 = tpu.matmul %convert_element_type3A_44, %get3A_39, %dot_general3A_45 {dimension_numbers = #tpu.dot_dimension_numbers<[1], [0], [0], [1], [0, 0, 1, 1], [], []>, precision = #tpu.contract_precision<fp32>, transpose_lhs_hint = false} : vector<2048x32xf32>, vector<32x17xf32>, vector<2048x17xf32> -> vector<2048x17xf32>
    %slice3A_47 = vector.extract_strided_slice %dot_general3A_20 {offsets = [0, 0], sizes = [2048, 1], strides = [1, 1]} : vector<2048x17xf32> to vector<2048x1xf32>
    %add3A_48 = arith.addf %add3A_11, %slice3A_47 : vector<2048x1xf32>
    %slice3A_49 = vector.extract_strided_slice %dot_general3A_20 {offsets = [0, 1], sizes = [2048, 16], strides = [1, 1]} : vector<2048x17xf32> to vector<2048x16xf32>
    %add3A_50 = arith.addf %add3A, %slice3A_49 : vector<2048x16xf32>
    %mul3A_51 = arith.mulf %slice3A_49, %slice3A_49 : vector<2048x16xf32>
    %reduce_sum3A_52 = arith.constant dense<0.000000e+00> : vector<2048xf32>
    %reduce_sum3A_53 = vector.multi_reduction <add>, %mul3A_51, %reduce_sum3A_52 [1] : vector<2048x16xf32> to vector<2048xf32>
    %broadcast_in_dim3A_54 = vector.shape_cast %reduce_sum3A_53 : vector<2048xf32> to vector<2048x1xf32>
    %add3A_55 = arith.addf %broadcast_in_dim3A, %broadcast_in_dim3A_54 : vector<2048x1xf32>
    %slice3A_56 = vector.extract_strided_slice %dot_general3A_33 {offsets = [0, 0], sizes = [2048, 1], strides = [1, 1]} : vector<2048x17xf32> to vector<2048x1xf32>
    %add3A_57 = arith.addf %add3A_48, %slice3A_56 : vector<2048x1xf32>
    %slice3A_58 = vector.extract_strided_slice %dot_general3A_33 {offsets = [0, 1], sizes = [2048, 16], strides = [1, 1]} : vector<2048x17xf32> to vector<2048x16xf32>
    %add3A_59 = arith.addf %add3A_50, %slice3A_58 : vector<2048x16xf32>
    %mul3A_60 = arith.mulf %slice3A_58, %slice3A_58 : vector<2048x16xf32>
    %reduce_sum3A_61 = arith.constant dense<0.000000e+00> : vector<2048xf32>
    %reduce_sum3A_62 = vector.multi_reduction <add>, %mul3A_60, %reduce_sum3A_61 [1] : vector<2048x16xf32> to vector<2048xf32>
    %broadcast_in_dim3A_63 = vector.shape_cast %reduce_sum3A_62 : vector<2048xf32> to vector<2048x1xf32>
    %add3A_64 = arith.addf %add3A_55, %broadcast_in_dim3A_63 : vector<2048x1xf32>
    %slice3A_65 = vector.extract_strided_slice %dot_general3A_46 {offsets = [0, 0], sizes = [2048, 1], strides = [1, 1]} : vector<2048x17xf32> to vector<2048x1xf32>
    %add3A_66 = arith.addf %add3A_57, %slice3A_65 : vector<2048x1xf32>
    %slice3A_67 = vector.extract_strided_slice %dot_general3A_46 {offsets = [0, 1], sizes = [2048, 16], strides = [1, 1]} : vector<2048x17xf32> to vector<2048x16xf32>
    %add3A_68 = arith.addf %add3A_59, %slice3A_67 : vector<2048x16xf32>
    %mul3A_69 = arith.mulf %slice3A_67, %slice3A_67 : vector<2048x16xf32>
    %reduce_sum3A_70 = arith.constant dense<0.000000e+00> : vector<2048xf32>
    %reduce_sum3A_71 = vector.multi_reduction <add>, %mul3A_69, %reduce_sum3A_70 [1] : vector<2048x16xf32> to vector<2048xf32>
    %broadcast_in_dim3A_72 = vector.shape_cast %reduce_sum3A_71 : vector<2048xf32> to vector<2048x1xf32>
    %add3A_73 = arith.addf %add3A_64, %broadcast_in_dim3A_72 : vector<2048x1xf32>
    %get3A_74 = arith.constant 0 : index
    %get3A_75 = arith.constant 0 : index
    %get3A_76 = vector.load %arg6[%get3A_74, %get3A_75] : memref<2048x20xi32, #tpu.memory_space<vmem>>, vector<2048x20xi32>
    %iota3A_77 = tpu.iota {dimensions = array<i32: 1>} : vector<2048x20xi32>
    %broadcast_in_dim3A_78 = arith.constant 0.000000e+00 : f32
    %broadcast_in_dim3A_79 = vector.broadcast %broadcast_in_dim3A_78 : f32 to vector<2048x20xf32>
    %slice3A_80 = vector.extract_strided_slice %get3A_76 {offsets = [0, 0], sizes = [2048, 1], strides = [1, 1]} : vector<2048x20xi32> to vector<2048x1xi32>
    %eq3A_81 = vector.broadcast %slice3A_80 : vector<2048x1xi32> to vector<2048x20xi32>
    %eq3A_82 = arith.cmpi eq, %eq3A_81, %iota3A_77 : vector<2048x20xi32>
    %convert_element_type3A_83 = arith.extui %eq3A_82 : vector<2048x20xi1> to vector<2048x20xi32>
    %convert_element_type3A_84 = arith.sitofp %convert_element_type3A_83 : vector<2048x20xi32> to vector<2048x20xf32>
    %add3A_85 = arith.addf %broadcast_in_dim3A_79, %convert_element_type3A_84 : vector<2048x20xf32>
    %slice3A_86 = vector.extract_strided_slice %get3A_76 {offsets = [0, 1], sizes = [2048, 1], strides = [1, 1]} : vector<2048x20xi32> to vector<2048x1xi32>
    %eq3A_87 = vector.broadcast %slice3A_86 : vector<2048x1xi32> to vector<2048x20xi32>
    %eq3A_88 = arith.cmpi eq, %eq3A_87, %iota3A_77 : vector<2048x20xi32>
    %convert_element_type3A_89 = arith.extui %eq3A_88 : vector<2048x20xi1> to vector<2048x20xi32>
    %convert_element_type3A_90 = arith.sitofp %convert_element_type3A_89 : vector<2048x20xi32> to vector<2048x20xf32>
    %add3A_91 = arith.addf %add3A_85, %convert_element_type3A_90 : vector<2048x20xf32>
    %slice3A_92 = vector.extract_strided_slice %get3A_76 {offsets = [0, 2], sizes = [2048, 1], strides = [1, 1]} : vector<2048x20xi32> to vector<2048x1xi32>
    %eq3A_93 = vector.broadcast %slice3A_92 : vector<2048x1xi32> to vector<2048x20xi32>
    %eq3A_94 = arith.cmpi eq, %eq3A_93, %iota3A_77 : vector<2048x20xi32>
    %convert_element_type3A_95 = arith.extui %eq3A_94 : vector<2048x20xi1> to vector<2048x20xi32>
    %convert_element_type3A_96 = arith.sitofp %convert_element_type3A_95 : vector<2048x20xi32> to vector<2048x20xf32>
    %add3A_97 = arith.addf %add3A_91, %convert_element_type3A_96 : vector<2048x20xf32>
    %slice3A_98 = vector.extract_strided_slice %get3A_76 {offsets = [0, 3], sizes = [2048, 1], strides = [1, 1]} : vector<2048x20xi32> to vector<2048x1xi32>
    %eq3A_99 = vector.broadcast %slice3A_98 : vector<2048x1xi32> to vector<2048x20xi32>
    %eq3A_100 = arith.cmpi eq, %eq3A_99, %iota3A_77 : vector<2048x20xi32>
    %convert_element_type3A_101 = arith.extui %eq3A_100 : vector<2048x20xi1> to vector<2048x20xi32>
    %convert_element_type3A_102 = arith.sitofp %convert_element_type3A_101 : vector<2048x20xi32> to vector<2048x20xf32>
    %add3A_103 = arith.addf %add3A_97, %convert_element_type3A_102 : vector<2048x20xf32>
    %slice3A_104 = vector.extract_strided_slice %get3A_76 {offsets = [0, 4], sizes = [2048, 1], strides = [1, 1]} : vector<2048x20xi32> to vector<2048x1xi32>
    %eq3A_105 = vector.broadcast %slice3A_104 : vector<2048x1xi32> to vector<2048x20xi32>
    %eq3A_106 = arith.cmpi eq, %eq3A_105, %iota3A_77 : vector<2048x20xi32>
    %convert_element_type3A_107 = arith.extui %eq3A_106 : vector<2048x20xi1> to vector<2048x20xi32>
    %convert_element_type3A_108 = arith.sitofp %convert_element_type3A_107 : vector<2048x20xi32> to vector<2048x20xf32>
    %add3A_109 = arith.addf %add3A_103, %convert_element_type3A_108 : vector<2048x20xf32>
    %slice3A_110 = vector.extract_strided_slice %get3A_76 {offsets = [0, 5], sizes = [2048, 1], strides = [1, 1]} : vector<2048x20xi32> to vector<2048x1xi32>
    %eq3A_111 = vector.broadcast %slice3A_110 : vector<2048x1xi32> to vector<2048x20xi32>
    %eq3A_112 = arith.cmpi eq, %eq3A_111, %iota3A_77 : vector<2048x20xi32>
    %convert_element_type3A_113 = arith.extui %eq3A_112 : vector<2048x20xi1> to vector<2048x20xi32>
    %convert_element_type3A_114 = arith.sitofp %convert_element_type3A_113 : vector<2048x20xi32> to vector<2048x20xf32>
    %add3A_115 = arith.addf %add3A_109, %convert_element_type3A_114 : vector<2048x20xf32>
    %slice3A_116 = vector.extract_strided_slice %get3A_76 {offsets = [0, 6], sizes = [2048, 1], strides = [1, 1]} : vector<2048x20xi32> to vector<2048x1xi32>
    %eq3A_117 = vector.broadcast %slice3A_116 : vector<2048x1xi32> to vector<2048x20xi32>
    %eq3A_118 = arith.cmpi eq, %eq3A_117, %iota3A_77 : vector<2048x20xi32>
    %convert_element_type3A_119 = arith.extui %eq3A_118 : vector<2048x20xi1> to vector<2048x20xi32>
    %convert_element_type3A_120 = arith.sitofp %convert_element_type3A_119 : vector<2048x20xi32> to vector<2048x20xf32>
    %add3A_121 = arith.addf %add3A_115, %convert_element_type3A_120 : vector<2048x20xf32>
    %slice3A_122 = vector.extract_strided_slice %get3A_76 {offsets = [0, 7], sizes = [2048, 1], strides = [1, 1]} : vector<2048x20xi32> to vector<2048x1xi32>
    %eq3A_123 = vector.broadcast %slice3A_122 : vector<2048x1xi32> to vector<2048x20xi32>
    %eq3A_124 = arith.cmpi eq, %eq3A_123, %iota3A_77 : vector<2048x20xi32>
    %convert_element_type3A_125 = arith.extui %eq3A_124 : vector<2048x20xi1> to vector<2048x20xi32>
    %convert_element_type3A_126 = arith.sitofp %convert_element_type3A_125 : vector<2048x20xi32> to vector<2048x20xf32>
    %add3A_127 = arith.addf %add3A_121, %convert_element_type3A_126 : vector<2048x20xf32>
    %slice3A_128 = vector.extract_strided_slice %get3A_76 {offsets = [0, 8], sizes = [2048, 1], strides = [1, 1]} : vector<2048x20xi32> to vector<2048x1xi32>
    %eq3A_129 = vector.broadcast %slice3A_128 : vector<2048x1xi32> to vector<2048x20xi32>
    %eq3A_130 = arith.cmpi eq, %eq3A_129, %iota3A_77 : vector<2048x20xi32>
    %convert_element_type3A_131 = arith.extui %eq3A_130 : vector<2048x20xi1> to vector<2048x20xi32>
    %convert_element_type3A_132 = arith.sitofp %convert_element_type3A_131 : vector<2048x20xi32> to vector<2048x20xf32>
    %add3A_133 = arith.addf %add3A_127, %convert_element_type3A_132 : vector<2048x20xf32>
    %slice3A_134 = vector.extract_strided_slice %get3A_76 {offsets = [0, 9], sizes = [2048, 1], strides = [1, 1]} : vector<2048x20xi32> to vector<2048x1xi32>
    %eq3A_135 = vector.broadcast %slice3A_134 : vector<2048x1xi32> to vector<2048x20xi32>
    %eq3A_136 = arith.cmpi eq, %eq3A_135, %iota3A_77 : vector<2048x20xi32>
    %convert_element_type3A_137 = arith.extui %eq3A_136 : vector<2048x20xi1> to vector<2048x20xi32>
    %convert_element_type3A_138 = arith.sitofp %convert_element_type3A_137 : vector<2048x20xi32> to vector<2048x20xf32>
    %add3A_139 = arith.addf %add3A_133, %convert_element_type3A_138 : vector<2048x20xf32>
    %slice3A_140 = vector.extract_strided_slice %get3A_76 {offsets = [0, 10], sizes = [2048, 1], strides = [1, 1]} : vector<2048x20xi32> to vector<2048x1xi32>
    %eq3A_141 = vector.broadcast %slice3A_140 : vector<2048x1xi32> to vector<2048x20xi32>
    %eq3A_142 = arith.cmpi eq, %eq3A_141, %iota3A_77 : vector<2048x20xi32>
    %convert_element_type3A_143 = arith.extui %eq3A_142 : vector<2048x20xi1> to vector<2048x20xi32>
    %convert_element_type3A_144 = arith.sitofp %convert_element_type3A_143 : vector<2048x20xi32> to vector<2048x20xf32>
    %add3A_145 = arith.addf %add3A_139, %convert_element_type3A_144 : vector<2048x20xf32>
    %slice3A_146 = vector.extract_strided_slice %get3A_76 {offsets = [0, 11], sizes = [2048, 1], strides = [1, 1]} : vector<2048x20xi32> to vector<2048x1xi32>
    %eq3A_147 = vector.broadcast %slice3A_146 : vector<2048x1xi32> to vector<2048x20xi32>
    %eq3A_148 = arith.cmpi eq, %eq3A_147, %iota3A_77 : vector<2048x20xi32>
    %convert_element_type3A_149 = arith.extui %eq3A_148 : vector<2048x20xi1> to vector<2048x20xi32>
    %convert_element_type3A_150 = arith.sitofp %convert_element_type3A_149 : vector<2048x20xi32> to vector<2048x20xf32>
    %add3A_151 = arith.addf %add3A_145, %convert_element_type3A_150 : vector<2048x20xf32>
    %slice3A_152 = vector.extract_strided_slice %get3A_76 {offsets = [0, 12], sizes = [2048, 1], strides = [1, 1]} : vector<2048x20xi32> to vector<2048x1xi32>
    %eq3A_153 = vector.broadcast %slice3A_152 : vector<2048x1xi32> to vector<2048x20xi32>
    %eq3A_154 = arith.cmpi eq, %eq3A_153, %iota3A_77 : vector<2048x20xi32>
    %convert_element_type3A_155 = arith.extui %eq3A_154 : vector<2048x20xi1> to vector<2048x20xi32>
    %convert_element_type3A_156 = arith.sitofp %convert_element_type3A_155 : vector<2048x20xi32> to vector<2048x20xf32>
    %add3A_157 = arith.addf %add3A_151, %convert_element_type3A_156 : vector<2048x20xf32>
    %slice3A_158 = vector.extract_strided_slice %get3A_76 {offsets = [0, 13], sizes = [2048, 1], strides = [1, 1]} : vector<2048x20xi32> to vector<2048x1xi32>
    %eq3A_159 = vector.broadcast %slice3A_158 : vector<2048x1xi32> to vector<2048x20xi32>
    %eq3A_160 = arith.cmpi eq, %eq3A_159, %iota3A_77 : vector<2048x20xi32>
    %convert_element_type3A_161 = arith.extui %eq3A_160 : vector<2048x20xi1> to vector<2048x20xi32>
    %convert_element_type3A_162 = arith.sitofp %convert_element_type3A_161 : vector<2048x20xi32> to vector<2048x20xf32>
    %add3A_163 = arith.addf %add3A_157, %convert_element_type3A_162 : vector<2048x20xf32>
    %slice3A_164 = vector.extract_strided_slice %get3A_76 {offsets = [0, 14], sizes = [2048, 1], strides = [1, 1]} : vector<2048x20xi32> to vector<2048x1xi32>
    %eq3A_165 = vector.broadcast %slice3A_164 : vector<2048x1xi32> to vector<2048x20xi32>
    %eq3A_166 = arith.cmpi eq, %eq3A_165, %iota3A_77 : vector<2048x20xi32>
    %convert_element_type3A_167 = arith.extui %eq3A_166 : vector<2048x20xi1> to vector<2048x20xi32>
    %convert_element_type3A_168 = arith.sitofp %convert_element_type3A_167 : vector<2048x20xi32> to vector<2048x20xf32>
    %add3A_169 = arith.addf %add3A_163, %convert_element_type3A_168 : vector<2048x20xf32>
    %slice3A_170 = vector.extract_strided_slice %get3A_76 {offsets = [0, 15], sizes = [2048, 1], strides = [1, 1]} : vector<2048x20xi32> to vector<2048x1xi32>
    %eq3A_171 = vector.broadcast %slice3A_170 : vector<2048x1xi32> to vector<2048x20xi32>
    %eq3A_172 = arith.cmpi eq, %eq3A_171, %iota3A_77 : vector<2048x20xi32>
    %convert_element_type3A_173 = arith.extui %eq3A_172 : vector<2048x20xi1> to vector<2048x20xi32>
    %convert_element_type3A_174 = arith.sitofp %convert_element_type3A_173 : vector<2048x20xi32> to vector<2048x20xf32>
    %add3A_175 = arith.addf %add3A_169, %convert_element_type3A_174 : vector<2048x20xf32>
    %slice3A_176 = vector.extract_strided_slice %get3A_76 {offsets = [0, 16], sizes = [2048, 1], strides = [1, 1]} : vector<2048x20xi32> to vector<2048x1xi32>
    %eq3A_177 = vector.broadcast %slice3A_176 : vector<2048x1xi32> to vector<2048x20xi32>
    %eq3A_178 = arith.cmpi eq, %eq3A_177, %iota3A_77 : vector<2048x20xi32>
    %convert_element_type3A_179 = arith.extui %eq3A_178 : vector<2048x20xi1> to vector<2048x20xi32>
    %convert_element_type3A_180 = arith.sitofp %convert_element_type3A_179 : vector<2048x20xi32> to vector<2048x20xf32>
    %add3A_181 = arith.addf %add3A_175, %convert_element_type3A_180 : vector<2048x20xf32>
    %slice3A_182 = vector.extract_strided_slice %get3A_76 {offsets = [0, 17], sizes = [2048, 1], strides = [1, 1]} : vector<2048x20xi32> to vector<2048x1xi32>
    %eq3A_183 = vector.broadcast %slice3A_182 : vector<2048x1xi32> to vector<2048x20xi32>
    %eq3A_184 = arith.cmpi eq, %eq3A_183, %iota3A_77 : vector<2048x20xi32>
    %convert_element_type3A_185 = arith.extui %eq3A_184 : vector<2048x20xi1> to vector<2048x20xi32>
    %convert_element_type3A_186 = arith.sitofp %convert_element_type3A_185 : vector<2048x20xi32> to vector<2048x20xf32>
    %add3A_187 = arith.addf %add3A_181, %convert_element_type3A_186 : vector<2048x20xf32>
    %slice3A_188 = vector.extract_strided_slice %get3A_76 {offsets = [0, 18], sizes = [2048, 1], strides = [1, 1]} : vector<2048x20xi32> to vector<2048x1xi32>
    %eq3A_189 = vector.broadcast %slice3A_188 : vector<2048x1xi32> to vector<2048x20xi32>
    %eq3A_190 = arith.cmpi eq, %eq3A_189, %iota3A_77 : vector<2048x20xi32>
    %convert_element_type3A_191 = arith.extui %eq3A_190 : vector<2048x20xi1> to vector<2048x20xi32>
    %convert_element_type3A_192 = arith.sitofp %convert_element_type3A_191 : vector<2048x20xi32> to vector<2048x20xf32>
    %add3A_193 = arith.addf %add3A_187, %convert_element_type3A_192 : vector<2048x20xf32>
    %slice3A_194 = vector.extract_strided_slice %get3A_76 {offsets = [0, 19], sizes = [2048, 1], strides = [1, 1]} : vector<2048x20xi32> to vector<2048x1xi32>
    %eq3A_195 = vector.broadcast %slice3A_194 : vector<2048x1xi32> to vector<2048x20xi32>
    %eq3A_196 = arith.cmpi eq, %eq3A_195, %iota3A_77 : vector<2048x20xi32>
    %convert_element_type3A_197 = arith.extui %eq3A_196 : vector<2048x20xi1> to vector<2048x20xi32>
    %convert_element_type3A_198 = arith.sitofp %convert_element_type3A_197 : vector<2048x20xi32> to vector<2048x20xf32>
    %add3A_199 = arith.addf %add3A_193, %convert_element_type3A_198 : vector<2048x20xf32>
    %ne3A = arith.constant 0 : i32
    %ne3A_200 = vector.broadcast %ne3A : i32 to vector<2048x20xi32>
    %ne3A_201 = arith.cmpi ne, %iota3A_77, %ne3A_200 : vector<2048x20xi32>
    %jit3A = arith.constant 0.000000e+00 : f32
    %broadcast_in_dim3A_202 = vector.broadcast %jit3A : f32 to vector<2048x20xf32>
    %select_n3A = arith.select %ne3A_201, %add3A_199, %broadcast_in_dim3A_202 : vector<2048x20xi1>, vector<2048x20xf32>
    %get3A_203 = arith.constant 0 : index
    %get3A_204 = arith.constant 0 : index
    %get3A_205 = vector.load %arg11[%get3A_203, %get3A_204] : memref<20x17xf32, #tpu.memory_space<vmem>>, vector<20x17xf32>
    %dot_general3A_206 = arith.constant dense<0.000000e+00> : vector<2048x17xf32>
    %dot_general3A_207 = tpu.matmul %select_n3A, %get3A_205, %dot_general3A_206 {dimension_numbers = #tpu.dot_dimension_numbers<[1], [0], [0], [1], [0, 0, 1, 1], [], []>, precision = #tpu.contract_precision<fp32>, transpose_lhs_hint = false} : vector<2048x20xf32>, vector<20x17xf32>, vector<2048x17xf32> -> vector<2048x17xf32>
    %slice3A_208 = vector.extract_strided_slice %get3A_205 {offsets = [0, 1], sizes = [20, 16], strides = [1, 1]} : vector<20x17xf32> to vector<20x16xf32>
    %slice3A_209 = vector.extract_strided_slice %get3A_205 {offsets = [0, 1], sizes = [20, 16], strides = [1, 1]} : vector<20x17xf32> to vector<20x16xf32>
    %mul3A_210 = arith.mulf %slice3A_208, %slice3A_209 : vector<20x16xf32>
    %reduce_sum3A_211 = arith.constant dense<0.000000e+00> : vector<20xf32>
    %reduce_sum3A_212 = vector.multi_reduction <add>, %mul3A_210, %reduce_sum3A_211 [1] : vector<20x16xf32> to vector<20xf32>
    %broadcast_in_dim3A_213 = vector.shape_cast %reduce_sum3A_212 : vector<20xf32> to vector<20x1xf32>
    %dot_general3A_214 = arith.constant dense<0.000000e+00> : vector<2048x1xf32>
    %dot_general3A_215 = tpu.matmul %select_n3A, %broadcast_in_dim3A_213, %dot_general3A_214 {dimension_numbers = #tpu.dot_dimension_numbers<[1], [0], [0], [1], [0, 0, 1, 1], [], []>, precision = #tpu.contract_precision<fp32>, transpose_lhs_hint = false} : vector<2048x20xf32>, vector<20x1xf32>, vector<2048x1xf32> -> vector<2048x1xf32>
    %slice3A_216 = vector.extract_strided_slice %dot_general3A_207 {offsets = [0, 0], sizes = [2048, 1], strides = [1, 1]} : vector<2048x17xf32> to vector<2048x1xf32>
    %add3A_217 = arith.addf %add3A_66, %slice3A_216 : vector<2048x1xf32>
    %slice3A_218 = vector.extract_strided_slice %dot_general3A_207 {offsets = [0, 1], sizes = [2048, 16], strides = [1, 1]} : vector<2048x17xf32> to vector<2048x16xf32>
    %add3A_219 = arith.addf %add3A_68, %slice3A_218 : vector<2048x16xf32>
    %add3A_220 = arith.addf %add3A_73, %dot_general3A_215 : vector<2048x1xf32>
    %mul3A_221 = arith.mulf %add3A_219, %add3A_219 : vector<2048x16xf32>
    %reduce_sum3A_222 = arith.constant dense<0.000000e+00> : vector<2048xf32>
    %reduce_sum3A_223 = vector.multi_reduction <add>, %mul3A_221, %reduce_sum3A_222 [1] : vector<2048x16xf32> to vector<2048xf32>
    %broadcast_in_dim3A_224 = vector.shape_cast %reduce_sum3A_223 : vector<2048xf32> to vector<2048x1xf32>
    %sub3A = arith.subf %broadcast_in_dim3A_224, %add3A_220 : vector<2048x1xf32>
    %mul3A_225 = arith.constant 5.000000e-01 : f32
    %mul3A_226 = vector.broadcast %mul3A_225 : f32 to vector<2048x1xf32>
    %mul3A_227 = arith.mulf %mul3A_226, %sub3A : vector<2048x1xf32>
    %add3A_228 = arith.addf %add3A_217, %mul3A_227 : vector<2048x1xf32>
    %neg3A = arith.constant 0.000000e+00 : f32
    %neg3A_229 = vector.broadcast %neg3A : f32 to vector<2048x1xf32>
    %neg3A_230 = arith.subf %neg3A_229, %add3A_228 : vector<2048x1xf32>
    %exp3A = math.exp %neg3A_230 : vector<2048x1xf32>
    %add3A_231 = arith.constant 1.000000e+00 : f32
    %add3A_232 = vector.broadcast %add3A_231 : f32 to vector<2048x1xf32>
    %add3A_233 = arith.addf %add3A_232, %exp3A : vector<2048x1xf32>
    %div3A = arith.constant 1.000000e+00 : f32
    %div3A_234 = vector.broadcast %div3A : f32 to vector<2048x1xf32>
    %div3A_235 = arith.divf %div3A_234, %add3A_233 : vector<2048x1xf32>
    %get3A_236 = arith.constant 0 : index
    %get3A_237 = arith.constant 0 : index
    %get3A_238 = vector.load %arg7[%get3A_236, %get3A_237] : memref<2048x1xf32, #tpu.memory_space<vmem>>, vector<2048x1xf32>
    %add3A_239 = arith.constant 9.99999997E-7 : f32
    %add3A_240 = vector.broadcast %add3A_239 : f32 to vector<2048x1xf32>
    %add3A_241 = arith.addf %div3A_235, %add3A_240 : vector<2048x1xf32>
    %log3A = math.log %add3A_241 : vector<2048x1xf32>
    %mul3A_242 = arith.mulf %get3A_238, %log3A : vector<2048x1xf32>
    %sub3A_243 = arith.constant 1.000000e+00 : f32
    %sub3A_244 = vector.broadcast %sub3A_243 : f32 to vector<2048x1xf32>
    %sub3A_245 = arith.subf %sub3A_244, %get3A_238 : vector<2048x1xf32>
    %sub3A_246 = arith.constant 1.000000e+00 : f32
    %sub3A_247 = vector.broadcast %sub3A_246 : f32 to vector<2048x1xf32>
    %sub3A_248 = arith.subf %sub3A_247, %div3A_235 : vector<2048x1xf32>
    %add3A_249 = arith.constant 9.99999997E-7 : f32
    %add3A_250 = vector.broadcast %add3A_249 : f32 to vector<2048x1xf32>
    %add3A_251 = arith.addf %sub3A_248, %add3A_250 : vector<2048x1xf32>
    %log3A_252 = math.log %add3A_251 : vector<2048x1xf32>
    %mul3A_253 = arith.mulf %sub3A_245, %log3A_252 : vector<2048x1xf32>
    %add3A_254 = arith.addf %mul3A_242, %mul3A_253 : vector<2048x1xf32>
    %neg3A_255 = arith.constant 0.000000e+00 : f32
    %neg3A_256 = vector.broadcast %neg3A_255 : f32 to vector<2048x1xf32>
    %neg3A_257 = arith.subf %neg3A_256, %add3A_254 : vector<2048x1xf32>
    %reduce_sum3A_258 = vector.shape_cast %neg3A_257 : vector<2048x1xf32> to vector<1x2048x1xf32>
    %reduce_sum3A_259 = arith.constant dense<0.000000e+00> : vector<1xf32>
    %reduce_sum3A_260 = vector.multi_reduction <add>, %reduce_sum3A_258, %reduce_sum3A_259 [1, 2] : vector<1x2048x1xf32> to vector<1xf32>
    %reduce_sum3A_261 = vector.shape_cast %reduce_sum3A_260 : vector<1xf32> to vector<1x1x1xf32>
    %reduce_sum3A_262 = vector.extract %reduce_sum3A_261[0, 0, 0] : f32 from vector<1x1x1xf32>
    %mul3A_263 = arith.constant 6.10351563E-5 : f32
    %mul3A_264 = arith.mulf %reduce_sum3A_262, %mul3A_263 : f32
    %eq3A_265 = arith.constant 0 : i32
    %eq3A_266 = arith.cmpi eq, %arg0, %eq3A_265 : i32
    %convert_element_type3A_267 = arith.extui %eq3A_266 : i1 to i32
    %cond3A = arith.constant 0 : i32
    %cond3A_268 = arith.cmpi ne, %convert_element_type3A_267, %cond3A : i32
    scf.if %cond3A_268 {
      %broadcast_in_dim3A_276 = arith.constant 0.000000e+00 : f32
      %broadcast_in_dim3A_277 = vector.broadcast %broadcast_in_dim3A_276 : f32 to vector<1x1xf32>
      %swap3A_278 = arith.constant 0 : index
      %swap3A_279 = arith.constant 0 : index
      %swap3A_280 = vector.load %arg12[%swap3A_278, %swap3A_279] : memref<1x1xf32, #tpu.memory_space<vmem>>, vector<1x1xf32>
      tpu.vector_store %arg12[%swap3A_278, %swap3A_279], %broadcast_in_dim3A_277 {strides = array<i32>} : memref<1x1xf32, #tpu.memory_space<vmem>>, vector<1x1xf32>,
    } else {
    }
    %get3A_269 = arith.constant 0 : index
    %get3A_270 = arith.constant 0 : index
    %get3A_271 = vector.load %arg12[%get3A_269, %get3A_270] : memref<1x1xf32, #tpu.memory_space<vmem>>, vector<1x1xf32>
    %add3A_272 = vector.broadcast %mul3A_264 : f32 to vector<1x1xf32>
    %add3A_273 = arith.addf %get3A_271, %add3A_272 : vector<1x1xf32>
    %swap3A = arith.constant 0 : index
    %swap3A_274 = arith.constant 0 : index
    %swap3A_275 = vector.load %arg12[%swap3A, %swap3A_274] : memref<1x1xf32, #tpu.memory_space<vmem>>, vector<1x1xf32>
    tpu.vector_store %arg12[%swap3A, %swap3A_274], %add3A_273 {strides = array<i32>} : memref<1x1xf32, #tpu.memory_space<vmem>>, vector<1x1xf32>,
    return
  }
  func.func @transform_0(%arg0: i32) -> (i32, i32) {
    %c0_i32 = arith.constant 0 : i32
    %c0_i32_0 = arith.constant 0 : i32
    return %arg0, %c0_i32 : i32, i32
  }
  func.func @transform_1(%arg0: i32) -> (i32, i32) {
    %c0_i32 = arith.constant 0 : i32
    %c0_i32_0 = arith.constant 0 : i32
    return %arg0, %c0_i32 : i32, i32
  }
  func.func @transform_2(%arg0: i32) -> (i32, i32) {
    %c0_i32 = arith.constant 0 : i32
    %c0_i32_0 = arith.constant 0 : i32
    return %arg0, %c0_i32 : i32, i32
  }
  func.func @transform_3(%arg0: i32) -> (i32, i32) {
    %c0_i32 = arith.constant 0 : i32
    %c0_i32_0 = arith.constant 0 : i32
    return %arg0, %c0_i32 : i32, i32
  }
  func.func @transform_4(%arg0: i32) -> (i32, i32) {
    %c0_i32 = arith.constant 0 : i32
    %c0_i32_0 = arith.constant 0 : i32
    return %arg0, %c0_i32 : i32, i32
  }
  func.func @transform_5(%arg0: i32) -> (i32, i32) {
    %c0_i32 = arith.constant 0 : i32
    %c0_i32_0 = arith.constant 0 : i32
    return %arg0, %c0_i32 : i32, i32
  }
  func.func @transform_6(%arg0: i32) -> (i32, i32) {
    %c0_i32 = arith.constant 0 : i32
    %c0_i32_0 = arith.constant 0 : i32
    return %arg0, %c0_i32 : i32, i32
  }
  func.func @transform_7(%arg0: i32) -> (i32, i32) {
    %c0_i32 = arith.constant 0 : i32
    %c0_i32_0 = arith.constant 0 : i32
    %c0_i32_1 = arith.constant 0 : i32
    return %c0_i32, %c0_i32_0 : i32, i32
  }
  func.func @transform_8(%arg0: i32) -> (i32, i32) {
    %c0_i32 = arith.constant 0 : i32
    %c0_i32_0 = arith.constant 0 : i32
    %c0_i32_1 = arith.constant 0 : i32
    return %c0_i32, %c0_i32_0 : i32, i32
  }
  func.func @transform_9(%arg0: i32) -> (i32, i32) {
    %c0_i32 = arith.constant 0 : i32
    %c0_i32_0 = arith.constant 0 : i32
    %c0_i32_1 = arith.constant 0 : i32
    return %c0_i32, %c0_i32_0 : i32, i32
  }
  func.func @transform_10(%arg0: i32) -> (i32, i32) {
    %c0_i32 = arith.constant 0 : i32
    %c0_i32_0 = arith.constant 0 : i32
    %c0_i32_1 = arith.constant 0 : i32
    return %c0_i32, %c0_i32_0 : i32, i32
  }
  func.func @transform_11(%arg0: i32) -> (i32, i32) {
    %c0_i32 = arith.constant 0 : i32
    %c0_i32_0 = arith.constant 0 : i32
    %c0_i32_1 = arith.constant 0 : i32
    return %c0_i32, %c0_i32_0 : i32, i32
  }
}

</mosaic_0001>

<sc_bundles>
// kernel: kernel.4.cloned.1.call-start
scs
__scs_entry_jumppad:
0x0: {  	(pc) =	sbr.rel $0x88, $3  }
0x1: {  	(tag) =	ssettag $0x0;
	lr =	simm.s32 $0x1  }
0x2: {  	[smem:$0x3F94] =	sst lr;
	_ =	strace $0xD0000000  }
0x3: {  	_ = 	snop  }
0x4: {  	_ = 	snop  }
0x5: {  	_ = 	snop  }
0x6: {  	_ = 	snop  }
0x7: {  	_ = 	snop  }
__scs_overlays_trampoline_lowered:
0x8: {  	[smem:$0x3FA3] =	sst s0  }
0x9: {  	[smem:$0x3FA4] =	sst s1  }
0xa: {  	[smem:$0x3FA5] =	sst s2  }
0xb: {  	[smem:$0x3FA6] =	sst s3  }
0xc: {  	[smem:$0x3FA7] =	sst s4  }
0xd: {  	[smem:$0x3FA8] =	sst s5  }
0xe: {  	[smem:$0x3FA9] =	sst s6  }
0xf: {  	[smem:$0x3FAA] =	sst s7  }
0x10: {  	[smem:$0x3FAB] =	sst s8  }
0x11: {  	[smem:$0x3FAC] =	sst s9;
	s0 =	simm.s32 @!p0 $0x0  }
0x12: {  	s1 =	sld [smem:$0x3F92];
	s0 =	simm.s32 @p0 $0x1  }
0x13: {  	[smem:$0x3FAD] =	sst s0;
	s0 =	simm.s32 @!p1 $0x0  }
0x14: {  	s2 =	sld [smem:$0x3F91];
	s0 =	simm.s32 @p1 $0x1  }
0x15: {  	[smem:$0x3FAE] =	sst s0;
	s0 =	simm.s32 @!p2 $0x0  }
0x16: {  	s3 =	sld [smem:$0x3FDB];
	s0 =	simm.s32 @p2 $0x1  }
0x17: {  	s4 =	simm.s32 $0x1BF5;
	[smem:$0x3FB0] =	sst s0  }
0x18: {  	s0 =	sld [smem:$0x3F93];
	_ =	swait.ge [sflag:s4], $0x0  }
0x19: {  	s7 =	sld [smem:$0x3F94]  }
0x1a: {  	s8 =	sadd.s32 $0xFFFFE003, lr  }
0x1b: {  	s9 =	sadd.s32 $0xFFFFFEF7, lr;
	s5 =	simm.s32 $0xFFFFFFFF;
	p2 =	slt.u32 s8, $0xFFFFF086  }
0x1c: {  	p1 =	slt.u32 s9, $0xF7A;
	s5 =	simm.s32 @!p2 $0x0  }
0x1d: {  	s5 =	simm.s32 @p1 $0x1;
	p0 =	seq.s32 s7, s2  }
0x1e: {  	s7 =	smul.u32 @!p0 $0xF7A, s2;
	p2 =	seq.s32 @!p0 s5, $0x0  }
0x1f: {  	s9 =	smul.u32 $0xF7A, s1;
	s8 =	simm.s32 @!p0 $0x1BF5;
	p2 =	por !p2, p0  }
0x20: {  	[sflag:s8] =	ssyncset.s32 @!p0 $0xFFFFF086;
	s6 =	sadd.s32 @!p0 s3, s7;
	s7 =	simm.s32 @!p0 $0x108  }
0x21: {  	s3 =	sadd.s32 s3, s9;
	s6 =	sadd.s32 @!p0 $0x88, s6;
	s7 =	simm.s32 @p2 $0x1082  }
0x22: {  	[simem:s7], [sflag:s8] =	dma.local @!p0 [hbm:s6], $0xF7A  }
0x23: {  	s9 =	sor.u32 $0xD0000000, s2;
	s6 =	simm.s32 $0x108;
	_ =	swait.ge @!p0 [sflag:s8], $0x0  }
0x24: {  	s3 =	sadd.s32 $0x88, s3;
	s6 =	simm.s32 @!p1 $0x1082;
	[sflag:s4] =	ssyncset.s32 $0xFFFFF086  }
0x25: {  	[simem:s6], [sflag:s4] =	dma.local [hbm:s3], $0xF7A  }
0x26: {  	[smem:$0x3F94] =	sst s1;
	(tag) =	ssettag s2;
	_ =	strace s9  }
0x27: {  	s1 =	sld [smem:$0x3FA4]  }
0x28: {  	s2 =	sld [smem:$0x3FA5]  }
0x29: {  	s4 =	sld [smem:$0x3FA7]  }
0x2a: {  	p0 =	seq.s32 s5, $0x0;
	s5 =	sld [smem:$0x3FA8]  }
0x2b: {  	s6 =	sld [smem:$0x3FA9]  }
0x2c: {  	s7 =	sld [smem:$0x3FAA]  }
0x2d: {  	s3 =	simm.s32 $0x108;
	s8 =	sld [smem:$0x3FAB]  }
0x2e: {  	s3 =	simm.s32 @!p0 $0x1082;
	s9 =	sld [smem:$0x3FAC]  }
0x2f: {  	lr =	sadd.s32 s0, s3;
	s0 =	sld [smem:$0x3FA3]  }
0x30: {  	s3 =	sld [smem:$0x3FA6]  }
0x31: {  	[smem:$0x3FAF] =	sst s10  }
0x32: {  	s10 =	sld [smem:$0x3FAD];
	_ =	sdelay $0x3  }
0x33: {  	p0 =	seq.s32 s10, $0x1;
	s10 =	sld [smem:$0x3FAF];
	_ =	sdelay $0x3  }
0x34: {  	[smem:$0x3FAF] =	sst s10  }
0x35: {  	s10 =	sld [smem:$0x3FAE];
	_ =	sdelay $0x3  }
0x36: {  	p1 =	seq.s32 s10, $0x1;
	s10 =	sld [smem:$0x3FAF];
	_ =	sdelay $0x3  }
0x37: {  	[smem:$0x3FAF] =	sst s10  }
0x38: {  	s10 =	sld [smem:$0x3FB0]  }
0x39: {  	_ = 	snop;
	(pc) =	sbr.ind lr, $3  }
0x3a: {  	_ = 	snop  }
0x3b: {  	_ = 	snop  }
0x3c: {  	p2 =	seq.s32 s10, $0x1;
	s10 =	sld [smem:$0x3FAF]  }
0x3d: {  	_ =	shalt  }
0x3e: {  	_ =	shalt  }
0x3f: {  	_ =	shalt  }
0x40: {  	_ =	shalt  }
0x41: {  	_ =	shalt  }
0x42: {  	_ =	shalt  }
0x43: {  	_ =	shalt  }
0x44: {  	_ =	shalt  }
0x45: {  	_ =	shalt  }
0x46: {  	_ =	shalt  }
0x47: {  	_ =	shalt  }
0x48: {  	_ =	shalt  }
0x49: {  	_ =	shalt  }
0x4a: {  	_ =	shalt  }
0x4b: {  	_ =	shalt  }
0x4c: {  	_ =	shalt  }
0x4d: {  	_ =	shalt  }
0x4e: {  	_ =	shalt  }
0x4f: {  	_ =	shalt  }
0x50: {  	_ =	shalt  }
0x51: {  	_ =	shalt  }
0x52: {  	_ =	shalt  }
0x53: {  	_ =	shalt  }
0x54: {  	_ =	shalt  }
0x55: {  	_ =	shalt  }
0x56: {  	_ =	shalt  }
0x57: {  	_ =	shalt  }
0x58: {  	_ =	shalt  }
0x59: {  	_ =	shalt  }
0x5a: {  	_ =	shalt  }
0x5b: {  	_ =	shalt  }
0x5c: {  	_ =	shalt  }
0x5d: {  	_ =	shalt  }
0x5e: {  	_ =	shalt  }
0x5f: {  	_ =	shalt  }
0x60: {  	_ =	shalt  }
0x61: {  	_ =	shalt  }
0x62: {  	_ =	shalt  }
0x63: {  	_ =	shalt  }
0x64: {  	_ =	shalt  }
0x65: {  	_ =	shalt  }
0x66: {  	_ =	shalt  }
0x67: {  	_ =	shalt  }
0x68: {  	_ =	shalt  }
0x69: {  	_ =	shalt  }
0x6a: {  	_ =	shalt  }
0x6b: {  	_ =	shalt  }
0x6c: {  	_ =	shalt  }
0x6d: {  	_ =	shalt  }
0x6e: {  	_ =	shalt  }
0x6f: {  	_ =	shalt  }
0x70: {  	_ =	shalt  }
0x71: {  	_ =	shalt  }
0x72: {  	_ =	shalt  }
0x73: {  	_ =	shalt  }
0x74: {  	_ =	shalt  }
0x75: {  	_ =	shalt  }
0x76: {  	_ =	shalt  }
0x77: {  	_ =	shalt  }
0x78: {  	_ =	shalt  }
0x79: {  	_ =	shalt  }
0x7a: {  	_ =	shalt  }
0x7b: {  	_ =	shalt  }
0x7c: {  	_ =	shalt  }
0x7d: {  	_ =	shalt  }
0x7e: {  	_ =	shalt  }
0x7f: {  	_ =	shalt  }
0x80: {  	_ =	shalt  }
0x81: {  	_ =	shalt  }
0x82: {  	_ =	shalt  }
0x83: {  	_ =	shalt  }
0x84: {  	_ =	shalt  }
0x85: {  	_ =	shalt  }
0x86: {  	_ =	shalt  }
0x87: {  	_ =	shalt  }
.Lfunc_end0:
.L_simem_size_0:
called_computation_lowered:
.L_overlay_start_0:
0x88: {  	s2 =	sld [smem:$0x3FD9]  }
0x89: {  	s3 =	sld [smem:$0x3FFE];
	_ =	sdelay $0x1  }
0x8a: {  	s1 =	srdreg.scid  }
0x8b: {  	s0 =	sand.u32 $0x1, s1  }
0x8c: {  	s17 =	sshll.u32 s0, $0xA;
	s2 =	sadd.s32 s3, s2  }
0x8d: {  	s2 =	sadd.s32 s2, s17  }
0x8e: {  	[smem:$0x3FBB] =	sst s2  }
0x8f: {  	_ = 	snop  }
0x90: {  	s2 =	sld [smem:$0x3FC9]  }
0x91: {  	s18 =	sld [smem:$0x3FC8];
	(tm) =	ssettm $0x1  }
0x92: {  	s4 =	sld [smem:$0x3FFB];
	_ =	sdelay $0x3  }
0x93: {  	_ =	strace s4  }
0x94: {  	s4 =	sld [smem:$0x3FFC];
	_ =	sdelay $0x3  }
0x95: {  	_ =	strace s4  }
0x96: {  	s4 =	sld [smem:$0x3FFD];
	_ =	sdelay $0x3  }
0x97: {  	_ =	strace s4  }
0x98: {  	_ =	strace $0x8FFFFFFF  }
0x99: {  	s19 =	sld [smem:$0x3FDB];
	_ =	sdelay $0x1  }
0x9a: {  	s5 =	simm.s32 $_scs_section_size  }
0x9b: {  	s6 =	simm.s32 $_size__tile_overlayer_lowered;
	s7 =	simm.s32 $_tile_overlayer_lowered  }
0x9c: {  	s22 =	simm.s32 $0x1BFF;
	s21 =	sshll.u32 s7, $0x1;
	s4 =	sadd.s32 s5, s19  }
0x9d: {  	s8 =	simm.s32 $0x0;
	s20 =	sshll.u32 s6, $0x1;
	s6 =	sadd.s32 s21, s4  }
0x9e: {  	[timem:s8], [sflag:s22] =	dma.local [hbm:s6], s20  }
0x9f: {  	_ =	swait.ge [sflag:s22], s20  }
0xa0: {  	s5 =	ssub.s32 $0x0, s20;
	[sflag:s22] =	ssyncset.done $0x0  }
0xa1: {  	[sflag:s22] =	ssyncadd.s32 s5;
	_ =	sdelay $0x1  }
0xa2: {  	s23 =	simm.s32 $0x1B8B  }
0xa3: {  	_ =	swait.ge [sflag:s23], $0x1  }
0xa4: {  	[sflag:s23] =	ssyncset.done $0x0  }
0xa5: {  	s25 =	simm.s32 $0x1B8E;
	s24 =	sld [smem:$0x3FFE];
	[sflag:s23] =	ssyncadd.s32 $0xFFFFFFFF  }
0xa6: {  	s26 =	simm.s32 $execute0_lowered;
	[smem:$0x3FD2] =	sst s25  }
0xa7: {  	s6 =	sshll.u32 s26, $0x1;
	_ =	strace $0x80000046;
	[dreg:$0x1] =	wrdreg $0xFFFFFFFF  }
0xa8: {  	s28 =	simm.s32 $_size_execute0_lowered;
	s4 =	sadd.s32 s4, s6;
	[dreg:$0x0] =	wrdreg $0x0  }
0xa9: {  	s6 =	sshll.u32 s28, $0x1;
	[dreg:$0x2] =	wrdreg s4  }
0xaa: {  	[dreg:$0x3] =	wrdreg s6  }
0xab: {  	[dreg:$0x4] =	wrdreg $0xC0  }
0xac: {  	_ =	task [dreg:s8], $0x5FFFF  }
0xad: {  	[dreg:$0x1] =	wrdreg $0xFFFFFFFF  }
0xae: {  	[dreg:$0x0] =	wrdreg $0x60  }
0xaf: {  	[dreg:$0x2] =	wrdreg s24  }
0xb0: {  	[dreg:$0x3] =	wrdreg s2  }
0xb1: {  	[dreg:$0x4] =	wrdreg s18  }
0xb2: {  	[dreg:$0x5] =	wrdreg $0x9  }
0xb3: {  	_ =	task.clear_ibuf [dreg:s8], $0x6FFFF;
	_ =	strace $0x90000046  }
0xb4: {  	s29 =	simm.s32 $0x9;
	_ =	strace $0x80000048  }
0xb5: {  	_ =	swait.ge [sflag:s29], $0x1  }
0xb6: {  	[sflag:s29] =	ssyncadd.s32 $0xFFFFFFFF  }
0xb7: {  	_ =	strace $0x90000048  }
0xb8: {  	_ =	sfence  }
0xb9: {  	s30 =	sld [smem:$0x0];
	_ =	sdelay $0x2  }
0xba: {  	s31 =	sshll.u32 s1, $0xD;
	s1 =	sshrl.u32 s1, $0x2  }
0xbb: {  	s3 =	sand.u32 $0x4000, s31;
	s1 =	sadd.s32 s1, s30  }
0xbc: {  	s0 =	sor.u32 s3, s0;
	s1 =	sshll.u32 s1, $0x11  }
0xbd: {  	s0 =	sor.u32 s1, s0  }
0xbe: {  	s0 =	sadd.s32 $0x8F2B, s0  }
0xbf: {  	[sflag:s0] =	ssyncadd.remote.s32 $0x1  }
0xc0: {  	_ =	sfence.sel $0xFFFF  }
0xc1: {  	[dreg:$0x0] =	wrdreg $0xFFFFFFFF;
	(pc) =	sbr.abs _section_cstart, $3  }
0xc2: {  	[dreg:$0x1] =	wrdreg $0xFFFFFFFF  }
0xc3: {  	_ =	task.clear_ibuf [dreg:s8], $0x2FFFF;
	_ =	strace $0x9FFFFFFF  }
0xc4: {  	(tm) =	ssettm $0x7FFFFFFF  }
0xc5: {  	_ =	shalt  }
tec
execute0_lowered:
.L_overlay_start_1:
0x0: {  	(tag) =	ssettag $0x1  }
0x1: {  	s15 =	rddreg [dreg:$0x0];
	s1 =	srdreg.scid  }
0x2: {  	s16 =	rddreg [dreg:$0x1];
	s0 =	stileid.u32;
	s20 =	sand.u32 $0x1, s1  }
0x3: {  	s17 =	rddreg [dreg:$0x2];
	s3 =	sshll.u32 s0, $0xA;
	s4 =	sshll.u32 s20, $0x9  }
0x4: {  	s2 =	simm.s32 $0x0;
	s1 =	rddreg [dreg:$0x3];
	s18 =	sor.u32 s4, s3  }
0x5: {  	[smem:$0x7FF] =	sst s2;
	s5 =	sshrl.u32 s18, $0x3  }
0x6: {  	_ =	strace $0x80000047;
	s3 =	simm.s32 $0x3;
	s4 =	sadd.s32 s16, s5  }
0x7: {  	[tilespmem:s2], [sflag:$0x3] =	stream.linear.gather [hbm4b:s4+s2], $0x100, $0x38;
	[tilespmem:$0x10400] =	vst v63  }
0x8: {  	_ =	swait.ge [sflag:s3], $0x100  }
0x9: {  	[sflag:s3] =	ssyncset.done $0x0  }
0xa: {  	s6 =	simm.s32 $0x200;
	s5 =	sadd.s32 s17, s5;
	[sflag:s3] =	ssyncadd.s32 $0xFFFFFF00  }
0xb: {  	[tilespmem:s6], [sflag:$0x3] =	stream.linear.gather [hbm4b:s5+s2], $0x100, $0x38;
	[tilespmem:$0x10400] =	vst v63  }
0xc: {  	_ =	swait.ge [sflag:s3], $0x100  }
0xd: {  	s8 =	simm.s32 $0x100;
	[sflag:s3] =	ssyncset.done $0x0  }
0xe: {  	s9 =	simm.s32 $0x400;
	s7 =	sadd.s32 $0x10CAE00, s15;
	[sflag:s3] =	ssyncadd.s32 $0xFFFFFF00  }
0xf: {  	[tilespmem:s9], [sflag:$0x1] =	stream.indirect.gather [hbm4b:s7+s8], $0x80, s2, s8, $0xb8;
	[tilespmem:$0x10400] =	vst v63  }
0x10: {  	s11 =	simm.s32 $0x8400;
	s12 =	simm.s32 $0x1;
	s10 =	sadd.s32 $0x2000, s15  }
0x11: {  	[tilespmem:s11], [sflag:$0x2] =	stream.indirect.gather [hbm4b:s10+s8], $0x80, s6, s8, $0xb8;
	[tilespmem:$0x10400] =	vst v63  }
0x12: {  	_ =	swait.ge [sflag:s12], $0x8000  }
0x13: {  	s19 =	sadd.s32 $0x188A00, s15;
	s21 =	sshll.u32 s18, $0x4;
	[sflag:s12] =	ssyncset.done $0x0  }
0x14: {  	s13 =	sadd.s32 s19, s21;
	[sflag:s12] =	ssyncadd.s32 $0xFFFF8000  }
0x15: {  	[hbm4b:s13+s2] =	stream.linear.scatter [tilespmem:s9], [sflag:$0x3], $0x8000, $0x38;
	[tilespmem:$0x10400] =	vst v63  }
0x16: {  	_ =	swait.ge [sflag:s3], $0x8000  }
0x17: {  	[sflag:s3] =	ssyncset.done $0x0  }
0x18: {  	s14 =	simm.s32 $0x2;
	[sflag:s3] =	ssyncadd.s32 $0xFFFF8000  }
0x19: {  	_ =	swait.ge [sflag:s14], $0x8000  }
0x1a: {  	s22 =	sadd.s32 $0x1C8A00, s15;
	[sflag:s14] =	ssyncset.done $0x0  }
0x1b: {  	s15 =	sadd.s32 s22, s21;
	[sflag:s14] =	ssyncadd.s32 $0xFFFF8000  }
0x1c: {  	[hbm4b:s15+s2] =	stream.linear.scatter [tilespmem:s11], [sflag:$0x3], $0x8000, $0x38;
	[tilespmem:$0x10400] =	vst v63  }
0x1d: {  	s30 =	sor.u32 $0x100, s18;
	_ =	swait.ge [sflag:s3], $0x8000  }
0x1e: {  	s18 =	sshrl.u32 s30, $0x3;
	[sflag:s3] =	ssyncset.done $0x0  }
0x1f: {  	s16 =	sadd.s32 s16, s18;
	[sflag:s3] =	ssyncadd.s32 $0xFFFF8000  }
0x20: {  	[tilespmem:s8], [sflag:$0x3] =	stream.linear.gather [hbm4b:s16+s2], $0x100, $0x38;
	[tilespmem:$0x10400] =	vst v63  }
0x21: {  	_ =	swait.ge [sflag:s3], $0x100  }
0x22: {  	[sflag:s3] =	ssyncset.done $0x0  }
0x23: {  	s17 =	sadd.s32 s17, s18;
	s18 =	simm.s32 $0x300;
	[sflag:s3] =	ssyncadd.s32 $0xFFFFFF00  }
0x24: {  	[tilespmem:s18], [sflag:$0x3] =	stream.linear.gather [hbm4b:s17+s2], $0x100, $0x38;
	[tilespmem:$0x10400] =	vst v63  }
0x25: {  	_ =	swait.ge [sflag:s3], $0x100  }
0x26: {  	[sflag:s3] =	ssyncset.done $0x0  }
0x27: {  	[sflag:s3] =	ssyncadd.s32 $0xFFFFFF00  }
0x28: {  	[tilespmem:s9], [sflag:$0x1] =	stream.indirect.gather [hbm4b:s7+s8], $0x80, s8, s8, $0xb8;
	[tilespmem:$0x10400] =	vst v63  }
0x29: {  	_ = 	snop  }
0x2a: {  	[tilespmem:s11], [sflag:$0x2] =	stream.indirect.gather [hbm4b:s10+s8], $0x80, s18, s8, $0xb8;
	[tilespmem:$0x10400] =	vst v63  }
0x2b: {  	_ =	swait.ge [sflag:s12], $0x8000  }
0x2c: {  	s21 =	sshll.u32 s30, $0x4;
	[sflag:s12] =	ssyncset.done $0x0  }
0x2d: {  	s20 =	ssub.s32 $0x2, s20;
	s19 =	sadd.s32 s19, s21;
	[sflag:s12] =	ssyncadd.s32 $0xFFFF8000  }
0x2e: {  	[hbm4b:s19+s2] =	stream.linear.scatter [tilespmem:s9], [sflag:$0x3], $0x8000, $0x38;
	[tilespmem:$0x10400] =	vst v63  }
0x2f: {  	s23 =	sshrl.u32 s20, $0x1;
	_ =	swait.ge [sflag:s3], $0x8000  }
0x30: {  	s23 =	ssub.s32 s20, s23;
	[sflag:s3] =	ssyncset.done $0x0  }
0x31: {  	s31 =	smax.u32 s23, $0x1;
	[sflag:s3] =	ssyncadd.s32 $0xFFFF8000  }
0x32: {  	p0 =	sne.s32 s31, $0x1;
	_ =	swait.ge [sflag:s14], $0x8000  }
.Ltmp0:
0x33: {  	[sflag:s14] =	ssyncset.done $0x0;
	(pc) =	sbr.rel @!p0 .LBB2_2-.Ltmp0, $4  }
0x34: {  	s20 =	sadd.s32 s22, s21;
	[sflag:s14] =	ssyncadd.s32 $0xFFFF8000  }
0x35: {  	[hbm4b:s20+s2] =	stream.linear.scatter [tilespmem:s11], [sflag:$0x3], $0x8000, $0x38;
	[tilespmem:$0x10400] =	vst v63  }
0x36: {  	_ =	swait.ge [sflag:s3], $0x8000  }
0x37: {  	s21 =	sadd.s32 $0xFFFFFFFF, s31;
	[sflag:s3] =	ssyncset.done $0x0  }
.LBB2_1:
0x38: {  	p0 =	sne.s32 s21, $0x1;
	s21 =	sadd.s32 $0xFFFFFFFF, s21;
	[sflag:s3] =	ssyncadd.s32 $0xFFFF8000  }
0x39: {  	[tilespmem:s2], [sflag:$0x3] =	stream.linear.gather [hbm4b:s4+s2], $0x100, $0x38;
	[tilespmem:$0x10400] =	vst v63  }
0x3a: {  	_ =	swait.ge [sflag:s3], $0x100  }
0x3b: {  	[sflag:s3] =	ssyncset.done $0x0  }
0x3c: {  	[sflag:s3] =	ssyncadd.s32 $0xFFFFFF00  }
0x3d: {  	[tilespmem:s6], [sflag:$0x3] =	stream.linear.gather [hbm4b:s5+s2], $0x100, $0x38;
	[tilespmem:$0x10400] =	vst v63  }
0x3e: {  	_ =	swait.ge [sflag:s3], $0x100  }
0x3f: {  	[sflag:s3] =	ssyncset.done $0x0  }
0x40: {  	[sflag:s3] =	ssyncadd.s32 $0xFFFFFF00  }
0x41: {  	[tilespmem:s9], [sflag:$0x1] =	stream.indirect.gather [hbm4b:s7+s8], $0x80, s2, s8, $0xb8;
	[tilespmem:$0x10400] =	vst v63  }
0x42: {  	_ = 	snop  }
0x43: {  	[tilespmem:s11], [sflag:$0x2] =	stream.indirect.gather [hbm4b:s10+s8], $0x80, s6, s8, $0xb8;
	[tilespmem:$0x10400] =	vst v63  }
0x44: {  	_ =	swait.ge [sflag:s12], $0x8000  }
0x45: {  	[sflag:s12] =	ssyncset.done $0x0  }
0x46: {  	[sflag:s12] =	ssyncadd.s32 $0xFFFF8000  }
0x47: {  	[hbm4b:s13+s2] =	stream.linear.scatter [tilespmem:s9], [sflag:$0x3], $0x8000, $0x38;
	[tilespmem:$0x10400] =	vst v63  }
0x48: {  	_ =	swait.ge [sflag:s3], $0x8000  }
0x49: {  	[sflag:s3] =	ssyncset.done $0x0  }
0x4a: {  	[sflag:s3] =	ssyncadd.s32 $0xFFFF8000  }
0x4b: {  	_ =	swait.ge [sflag:s14], $0x8000  }
0x4c: {  	[sflag:s14] =	ssyncset.done $0x0  }
0x4d: {  	[sflag:s14] =	ssyncadd.s32 $0xFFFF8000  }
0x4e: {  	[hbm4b:s15+s2] =	stream.linear.scatter [tilespmem:s11], [sflag:$0x3], $0x8000, $0x38;
	[tilespmem:$0x10400] =	vst v63  }
0x4f: {  	_ =	swait.ge [sflag:s3], $0x8000  }
0x50: {  	[sflag:s3] =	ssyncset.done $0x0  }
0x51: {  	[sflag:s3] =	ssyncadd.s32 $0xFFFF8000  }
0x52: {  	[tilespmem:s8], [sflag:$0x3] =	stream.linear.gather [hbm4b:s16+s2], $0x100, $0x38;
	[tilespmem:$0x10400] =	vst v63  }
0x53: {  	_ =	swait.ge [sflag:s3], $0x100  }
0x54: {  	[sflag:s3] =	ssyncset.done $0x0  }
0x55: {  	[sflag:s3] =	ssyncadd.s32 $0xFFFFFF00  }
0x56: {  	[tilespmem:s18], [sflag:$0x3] =	stream.linear.gather [hbm4b:s17+s2], $0x100, $0x38;
	[tilespmem:$0x10400] =	vst v63  }
0x57: {  	_ =	swait.ge [sflag:s3], $0x100  }
0x58: {  	[sflag:s3] =	ssyncset.done $0x0  }
0x59: {  	[sflag:s3] =	ssyncadd.s32 $0xFFFFFF00  }
0x5a: {  	[tilespmem:s9], [sflag:$0x1] =	stream.indirect.gather [hbm4b:s7+s8], $0x80, s8, s8, $0xb8;
	[tilespmem:$0x10400] =	vst v63  }
0x5b: {  	_ = 	snop  }
0x5c: {  	[tilespmem:s11], [sflag:$0x2] =	stream.indirect.gather [hbm4b:s10+s8], $0x80, s18, s8, $0xb8;
	[tilespmem:$0x10400] =	vst v63  }
0x5d: {  	_ =	swait.ge [sflag:s12], $0x8000  }
0x5e: {  	[sflag:s12] =	ssyncset.done $0x0  }
0x5f: {  	[sflag:s12] =	ssyncadd.s32 $0xFFFF8000  }
0x60: {  	[hbm4b:s19+s2] =	stream.linear.scatter [tilespmem:s9], [sflag:$0x3], $0x8000, $0x38;
	[tilespmem:$0x10400] =	vst v63  }
0x61: {  	_ =	swait.ge [sflag:s3], $0x8000  }
0x62: {  	[sflag:s3] =	ssyncset.done $0x0  }
0x63: {  	[sflag:s3] =	ssyncadd.s32 $0xFFFF8000  }
0x64: {  	_ =	swait.ge [sflag:s14], $0x8000  }
.Ltmp1:
0x65: {  	[sflag:s14] =	ssyncset.done $0x0;
	(pc) =	sbr.rel @p0 .LBB2_1-.Ltmp1, $4  }
0x66: {  	[sflag:s14] =	ssyncadd.s32 $0xFFFF8000  }
0x67: {  	[hbm4b:s20+s2] =	stream.linear.scatter [tilespmem:s11], [sflag:$0x3], $0x8000, $0x38;
	[tilespmem:$0x10400] =	vst v63  }
0x68: {  	_ =	swait.ge [sflag:s3], $0x8000  }
0x69: {  	[sflag:s3] =	ssyncset.done $0x0  }
.LBB2_2:
0x6a: {  	[sflag:s3] =	ssyncadd.s32 $0xFFFF8000  }
0x6b: {  	_ =	sfence.sel $0x180000  }
0x6c: {  	[bflag:$0x0] =	sbarrier.arrive $0xFFFF  }
0x6d: {  	p0 =	sne.s32 s0, $0x0;
	_ =	strace $0x90000047  }
0x6e: {  	s0 =	sadd.s32 @!p0 $0x100000, s1;
	[bflag:$0x2] =	sbarrier.arrive $0xFFFF  }
0x6f: {  	[sflag:s0] =	ssyncadd.tile.s32 @!p0 $0x1;
	_ =	shalt  }
.Lfunc_end2:
_tile_overlayer_lowered:
.L_overlay_start_2:
0x70: {  	(tag) =	ssettag $0x2  }
0x71: {  	s0 =	rddreg [dreg:$0x0];
	s2 =	stileid.u32  }
0x72: {  	s1 =	rddreg [dreg:$0x1];
	p0 =	sne.s32 s2, $0x0  }
0x73: {  	s3 =	rddreg [dreg:$0x2];
	[bflag:$0x3] =	sbarrier.arrive $0xFFFF;
	s2 =	simm.s32 @!p0 $0x1C03  }
0x74: {  	[timem:s3], [sflag:s2] =	dma.local @!p0 [hbm:s0], s1  }
0x75: {  	s0 =	simm.s32 @!p0 $0x3  }
0x76: {  	_ =	swait.ge @!p0 [sflag:s0], s1  }
0x77: {  	s1 =	ssub.s32 @!p0 $0x0, s1;
	[sflag:s0] =	ssyncset.done @!p0 $0x0  }
0x78: {  	[sflag:s0] =	ssyncadd.s32 @!p0 s1  }
0x79: {  	[bflag:$0x3] =	sbarrier.arrive $0xFFFF  }
0x7a: {  	_ =	shalt  }

</sc_bundles>
